<compile_context>
chip_gen: v7x
topology: tpu7x:2x2x1
jax: 0.10.2.dev20260603
libtpu: 0.0.44.dev20260713+nightly
codegen_flags: <defaults>
</compile_context>

<pallas_src>
import functools

import jax
import jax.numpy as jnp
from jax import lax
from jax.experimental import pallas as pl
from jax.experimental.pallas import tpu as pltpu
from jax.experimental.pallas import tpu_sc as plsc

N_NODES = 100000
D_FEAT = 128
HIDDEN = 64
NUM_SEGMENTS = 512

ROWS = 25600
N_PAD = 102400
GRID = N_PAD // ROWS
NC = 2
NS = 16
NW = NC * NS
CHUNK_ROWS = N_PAD // (NW * 128)
CHUNK = CHUNK_ROWS * 128
GROUP = 5
ACC = 640


def _mlp_body(x_ref, w1_ref, b1_ref, w2r_ref, b2_ref, o_ref):
    x = x_ref[...]
    h = lax.dot_general(x, w1_ref[...], (((1,), (0,)), ((), ())),
                        preferred_element_type=jnp.float32)
    h = h + b1_ref[...]
    h = h * (1.0 / (1.0 + jnp.exp(-h)))
    c = lax.dot_general(w2r_ref[...], h, (((1,), (1,)), ((), ())),
                        preferred_element_type=jnp.float32)
    o_ref[...] = (c + b2_ref[0, 0]).reshape(ROWS)


def _mlp_contrib(x, w1, b1r, w2r, b2r):
    return pl.pallas_call(
        _mlp_body,
        grid=(GRID,),
        in_specs=[
            pl.BlockSpec((ROWS, D_FEAT), lambda i: (i, 0)),
            pl.BlockSpec((D_FEAT, HIDDEN), lambda i: (0, 0)),
            pl.BlockSpec((1, HIDDEN), lambda i: (0, 0)),
            pl.BlockSpec((1, HIDDEN), lambda i: (0, 0)),
            pl.BlockSpec((1, 1), lambda i: (0, 0)),
        ],
        out_specs=pl.BlockSpec((ROWS,), lambda i: (i,)),
        out_shape=jax.ShapeDtypeStruct((N_PAD,), jnp.float32),
    )(x, w1, b1r, w2r, b2r)


def _seg_body(contrib_hbm, batch_hbm, out_hbm,
              vals_v, idx_v, ones_v, zeros_v, ssum, scnt, sem):
    cid = lax.axis_index("c")
    sid = lax.axis_index("s")
    wid = sid * NC + cid

    one16 = jnp.ones((16,), jnp.float32)
    for k in range(8):
        ones_v[pl.ds(k * 16, 16)] = one16

    @pl.when(sid == 0)
    def _init():
        zero16 = jnp.zeros((16,), jnp.float32)
        for k in range(ACC // 16):
            zeros_v[pl.ds(k * 16, 16)] = zero16
        pltpu.sync_copy(zeros_v, ssum)
        pltpu.sync_copy(zeros_v, scnt)

    pltpu.sync_copy(contrib_hbm.at[pl.ds(wid * CHUNK, CHUNK)], vals_v)
    pltpu.sync_copy(batch_hbm.at[wid], idx_v)
    plsc.subcore_barrier()

    def body(g, carry):
        handles = []
        for u in range(GROUP):
            j = g * GROUP + u
            handles.append(pltpu.async_copy(
                vals_v.at[pl.ds(j * 128, 128)], ssum.at[idx_v.at[j]],
                sem, add=True))
            handles.append(pltpu.async_copy(
                ones_v, scnt.at[idx_v.at[j]], sem, add=True))
        for h in handles:
            h.wait()
        return carry

    lax.fori_loop(0, CHUNK_ROWS // GROUP, body, 0)
    plsc.subcore_barrier()

    @pl.when(sid == 0)
    def _publish():
        pltpu.sync_copy(ssum, out_hbm.at[cid, 0])
        pltpu.sync_copy(scnt, out_hbm.at[cid, 1])


@functools.cache
def _seg_partials():
    return pl.kernel(
        _seg_body,
        out_type=jax.ShapeDtypeStruct((NC, 2, ACC), jnp.float32),
        mesh=plsc.VectorSubcoreMesh(core_axis_name="c", subcore_axis_name="s",
                                    num_cores=NC, num_subcores=NS),
        scratch_types=[
            pltpu.VMEM((CHUNK,), jnp.float32),
            pltpu.VMEM((CHUNK_ROWS, 128), jnp.int32),
            pltpu.VMEM((128,), jnp.float32),
            pltpu.VMEM((ACC,), jnp.float32),
            pltpu.VMEM_SHARED((ACC,), jnp.float32),
            pltpu.VMEM_SHARED((ACC,), jnp.float32),
            pltpu.SemaphoreType.DMA,
        ],
    )


def _combine_body(p_ref, o_ref):
    p = p_ref[...]
    sums = p[0, 0, :NUM_SEGMENTS] + p[1, 0, :NUM_SEGMENTS]
    cnts = p[0, 1, :NUM_SEGMENTS] + p[1, 1, :NUM_SEGMENTS]
    o_ref[...] = (sums / jnp.maximum(cnts, 1.0)).reshape(1, NUM_SEGMENTS)


def _combine(partials):
    return pl.pallas_call(
        _combine_body,
        out_shape=jax.ShapeDtypeStruct((1, NUM_SEGMENTS), jnp.float32),
    )(partials)


def kernel(node_feats, batch, W1, b1, W2, b2):
    b1r = b1.reshape(1, HIDDEN)
    w2r = W2.reshape(1, HIDDEN)
    b2r = b2.reshape(1, 1)
    contrib = _mlp_contrib(node_feats, W1, b1r, w2r, b2r)

    batch_i = jnp.pad(batch.astype(jnp.int32), (0, N_PAD - N_NODES),
                      constant_values=NUM_SEGMENTS)
    batch_i = batch_i.reshape(NW, CHUNK_ROWS, 128)

    partials = _seg_partials()(contrib, batch_i)
    return _combine(partials).reshape(NUM_SEGMENTS)

# --- scband reference (transcript-rebuilt; emitter-appended) ---
"""Pipeline reference for scband-scalar-head-32590211842147 (READ-ONLY COPY).

The authoritative reference and input builder live on the scoring server;
editing this copy changes nothing except your own understanding.
"""

import jax, jax.numpy as jnp
import numpy as np

N_NODES = 100000
D_FEAT = 128
HIDDEN = 64
NUM_SEGMENTS = 512


def setup_inputs(seed: int = 0) -> dict:
    key = jax.random.key(seed)
    k1, k2, k3, k4 = jax.random.split(key, 4)
    node_feats = jax.random.normal(k1, (N_NODES, D_FEAT), dtype=jnp.float32)
    batch = jnp.sort(jax.random.randint(k2, (N_NODES,), 0, NUM_SEGMENTS, dtype=jnp.int64))
    # ScalarReadout MLP params: Linear(D_FEAT, HIDDEN) -> SiLU -> Linear(HIDDEN, 1)
    W1 = jax.random.normal(k3, (D_FEAT, HIDDEN), dtype=jnp.float32) * (1.0 / np.sqrt(D_FEAT))
    b1 = jnp.zeros((HIDDEN,), dtype=jnp.float32)
    W2 = jax.random.normal(k4, (HIDDEN, 1), dtype=jnp.float32) * (1.0 / np.sqrt(HIDDEN))
    b2 = jnp.zeros((1,), dtype=jnp.float32)
    return {"node_feats": node_feats, "batch": batch, "W1": W1, "b1": b1, "W2": W2, "b2": b2}


def reference(node_feats, batch, W1, b1, W2, b2):
    # readout MLP -> per-atom scalar contribution
    h = jax.nn.silu(node_feats @ W1 + b1)
    node_contrib = (h @ W2 + b2).squeeze(-1)  # (N,)
    # scatter(reduce='mean') over structures
    sums = jax.ops.segment_sum(node_contrib, batch, num_segments=NUM_SEGMENTS)
    counts = jax.ops.segment_sum(jnp.ones_like(node_contrib), batch, num_segments=NUM_SEGMENTS)
    value = sums / jnp.maximum(counts, 1.0)  # (B,)
    return value

if __name__ == "__main__":
    import jax
    _d = setup_inputs()
    print(jax.jit(kernel)(*tuple(_d.values())))

</pallas_src>

<mosaic_0001>
#map = affine_map<(d0, d1) -> (0)>
#map1 = affine_map<(d0, d1) -> (0, 0, 0)>
module attributes {stable_mosaic.version = 14 : i64} {
  func.func @_seg_body(%arg0: i32, %arg1: i32, %arg2: memref<102400xf32, #tpu.memory_space<hbm>>, %arg3: memref<32x25x128xi32, #tpu.memory_space<hbm>>, %arg4: memref<2x2x640xf32, #tpu.memory_space<hbm>>, %arg5: memref<3200xf32, #tpu.memory_space<vmem>>, %arg6: memref<25x128xi32, #tpu.memory_space<vmem>>, %arg7: memref<128xf32, #tpu.memory_space<vmem>>, %arg8: memref<640xf32, #tpu.memory_space<vmem>>, %arg9: memref<640xf32, #tpu.memory_space<vmem_shared>>, %arg10: memref<640xf32, #tpu.memory_space<vmem_shared>>, %arg11: memref<!tpu.dma_semaphore, #tpu.memory_space<semaphore_mem>>) attributes {dimension_semantics = [#tpu.dimension_semantics<core_parallel>, #tpu.dimension_semantics<subcore_parallel>], iteration_bounds = array<i64: 2, 16>, scalar_prefetch = 0 : i64, scratch_operands = 7 : i64, tpu.core_type = #tpu.core_type<sc_vector_subcore>, window_params = [{transform_indices = #map}, {transform_indices = #map1}, {transform_indices = #map1}]} {
    %mul3A = arith.constant 2 : i32
    %mul3A_0 = arith.muli %arg1, %mul3A : i32
    %add3A = arith.addi %mul3A_0, %arg0 : i32
    %broadcast_in_dim3A = arith.constant 1.000000e+00 : f32
    %broadcast_in_dim3A_1 = vector.broadcast %broadcast_in_dim3A : f32 to vector<16xf32>
    %swap3A = arith.constant 0 : index
    %swap3A_2 = tpu.vector_load %arg7[%swap3A] {strides = array<i32>} : memref<128xf32, #tpu.memory_space<vmem>>, vector<16xf32>,
    %swap3A_3 = vector.shape_cast %swap3A_2 : vector<16xf32> to vector<16xf32>
    %swap3A_4 = vector.shape_cast %broadcast_in_dim3A_1 : vector<16xf32> to vector<16xf32>
    tpu.vector_store %arg7[%swap3A], %swap3A_4 {strides = array<i32>} : memref<128xf32, #tpu.memory_space<vmem>>, vector<16xf32>,
    %swap3A_5 = arith.constant 16 : index
    %swap3A_6 = tpu.vector_load %arg7[%swap3A_5] {strides = array<i32>} : memref<128xf32, #tpu.memory_space<vmem>>, vector<16xf32>,
    %swap3A_7 = vector.shape_cast %swap3A_6 : vector<16xf32> to vector<16xf32>
    %swap3A_8 = vector.shape_cast %broadcast_in_dim3A_1 : vector<16xf32> to vector<16xf32>
    tpu.vector_store %arg7[%swap3A_5], %swap3A_8 {strides = array<i32>} : memref<128xf32, #tpu.memory_space<vmem>>, vector<16xf32>,
    %swap3A_9 = arith.constant 32 : index
    %swap3A_10 = tpu.vector_load %arg7[%swap3A_9] {strides = array<i32>} : memref<128xf32, #tpu.memory_space<vmem>>, vector<16xf32>,
    %swap3A_11 = vector.shape_cast %swap3A_10 : vector<16xf32> to vector<16xf32>
    %swap3A_12 = vector.shape_cast %broadcast_in_dim3A_1 : vector<16xf32> to vector<16xf32>
    tpu.vector_store %arg7[%swap3A_9], %swap3A_12 {strides = array<i32>} : memref<128xf32, #tpu.memory_space<vmem>>, vector<16xf32>,
    %swap3A_13 = arith.constant 48 : index
    %swap3A_14 = tpu.vector_load %arg7[%swap3A_13] {strides = array<i32>} : memref<128xf32, #tpu.memory_space<vmem>>, vector<16xf32>,
    %swap3A_15 = vector.shape_cast %swap3A_14 : vector<16xf32> to vector<16xf32>
    %swap3A_16 = vector.shape_cast %broadcast_in_dim3A_1 : vector<16xf32> to vector<16xf32>
    tpu.vector_store %arg7[%swap3A_13], %swap3A_16 {strides = array<i32>} : memref<128xf32, #tpu.memory_space<vmem>>, vector<16xf32>,
    %swap3A_17 = arith.constant 64 : index
    %swap3A_18 = tpu.vector_load %arg7[%swap3A_17] {strides = array<i32>} : memref<128xf32, #tpu.memory_space<vmem>>, vector<16xf32>,
    %swap3A_19 = vector.shape_cast %swap3A_18 : vector<16xf32> to vector<16xf32>
    %swap3A_20 = vector.shape_cast %broadcast_in_dim3A_1 : vector<16xf32> to vector<16xf32>
    tpu.vector_store %arg7[%swap3A_17], %swap3A_20 {strides = array<i32>} : memref<128xf32, #tpu.memory_space<vmem>>, vector<16xf32>,
    %swap3A_21 = arith.constant 80 : index
    %swap3A_22 = tpu.vector_load %arg7[%swap3A_21] {strides = array<i32>} : memref<128xf32, #tpu.memory_space<vmem>>, vector<16xf32>,
    %swap3A_23 = vector.shape_cast %swap3A_22 : vector<16xf32> to vector<16xf32>
    %swap3A_24 = vector.shape_cast %broadcast_in_dim3A_1 : vector<16xf32> to vector<16xf32>
    tpu.vector_store %arg7[%swap3A_21], %swap3A_24 {strides = array<i32>} : memref<128xf32, #tpu.memory_space<vmem>>, vector<16xf32>,
    %swap3A_25 = arith.constant 96 : index
    %swap3A_26 = tpu.vector_load %arg7[%swap3A_25] {strides = array<i32>} : memref<128xf32, #tpu.memory_space<vmem>>, vector<16xf32>,
    %swap3A_27 = vector.shape_cast %swap3A_26 : vector<16xf32> to vector<16xf32>
    %swap3A_28 = vector.shape_cast %broadcast_in_dim3A_1 : vector<16xf32> to vector<16xf32>
    tpu.vector_store %arg7[%swap3A_25], %swap3A_28 {strides = array<i32>} : memref<128xf32, #tpu.memory_space<vmem>>, vector<16xf32>,
    %swap3A_29 = arith.constant 112 : index
    %swap3A_30 = tpu.vector_load %arg7[%swap3A_29] {strides = array<i32>} : memref<128xf32, #tpu.memory_space<vmem>>, vector<16xf32>,
    %swap3A_31 = vector.shape_cast %swap3A_30 : vector<16xf32> to vector<16xf32>
    %swap3A_32 = vector.shape_cast %broadcast_in_dim3A_1 : vector<16xf32> to vector<16xf32>
    tpu.vector_store %arg7[%swap3A_29], %swap3A_32 {strides = array<i32>} : memref<128xf32, #tpu.memory_space<vmem>>, vector<16xf32>,
    %eq3A = arith.constant 0 : i32
    %eq3A_33 = arith.cmpi eq, %arg1, %eq3A : i32
    %convert_element_type3A = arith.extui %eq3A_33 : i1 to i32
    %cond3A = arith.constant 0 : i32
    %cond3A_34 = arith.cmpi ne, %convert_element_type3A, %cond3A : i32
    scf.if %cond3A_34 {
      %broadcast_in_dim3A_48 = arith.constant 0.000000e+00 : f32
      %broadcast_in_dim3A_49 = vector.broadcast %broadcast_in_dim3A_48 : f32 to vector<16xf32>
      %swap3A_50 = arith.constant 0 : index
      %swap3A_51 = tpu.vector_load %arg8[%swap3A_50] {strides = array<i32>} : memref<640xf32, #tpu.memory_space<vmem>>, vector<16xf32>,
      %swap3A_52 = vector.shape_cast %swap3A_51 : vector<16xf32> to vector<16xf32>
      %swap3A_53 = vector.shape_cast %broadcast_in_dim3A_49 : vector<16xf32> to vector<16xf32>
      tpu.vector_store %arg8[%swap3A_50], %swap3A_53 {strides = array<i32>} : memref<640xf32, #tpu.memory_space<vmem>>, vector<16xf32>,
      %swap3A_54 = arith.constant 16 : index
      %swap3A_55 = tpu.vector_load %arg8[%swap3A_54] {strides = array<i32>} : memref<640xf32, #tpu.memory_space<vmem>>, vector<16xf32>,
      %swap3A_56 = vector.shape_cast %swap3A_55 : vector<16xf32> to vector<16xf32>
      %swap3A_57 = vector.shape_cast %broadcast_in_dim3A_49 : vector<16xf32> to vector<16xf32>
      tpu.vector_store %arg8[%swap3A_54], %swap3A_57 {strides = array<i32>} : memref<640xf32, #tpu.memory_space<vmem>>, vector<16xf32>,
      %swap3A_58 = arith.constant 32 : index
      %swap3A_59 = tpu.vector_load %arg8[%swap3A_58] {strides = array<i32>} : memref<640xf32, #tpu.memory_space<vmem>>, vector<16xf32>,
      %swap3A_60 = vector.shape_cast %swap3A_59 : vector<16xf32> to vector<16xf32>
      %swap3A_61 = vector.shape_cast %broadcast_in_dim3A_49 : vector<16xf32> to vector<16xf32>
      tpu.vector_store %arg8[%swap3A_58], %swap3A_61 {strides = array<i32>} : memref<640xf32, #tpu.memory_space<vmem>>, vector<16xf32>,
      %swap3A_62 = arith.constant 48 : index
      %swap3A_63 = tpu.vector_load %arg8[%swap3A_62] {strides = array<i32>} : memref<640xf32, #tpu.memory_space<vmem>>, vector<16xf32>,
      %swap3A_64 = vector.shape_cast %swap3A_63 : vector<16xf32> to vector<16xf32>
      %swap3A_65 = vector.shape_cast %broadcast_in_dim3A_49 : vector<16xf32> to vector<16xf32>
      tpu.vector_store %arg8[%swap3A_62], %swap3A_65 {strides = array<i32>} : memref<640xf32, #tpu.memory_space<vmem>>, vector<16xf32>,
      %swap3A_66 = arith.constant 64 : index
      %swap3A_67 = tpu.vector_load %arg8[%swap3A_66] {strides = array<i32>} : memref<640xf32, #tpu.memory_space<vmem>>, vector<16xf32>,
      %swap3A_68 = vector.shape_cast %swap3A_67 : vector<16xf32> to vector<16xf32>
      %swap3A_69 = vector.shape_cast %broadcast_in_dim3A_49 : vector<16xf32> to vector<16xf32>
      tpu.vector_store %arg8[%swap3A_66], %swap3A_69 {strides = array<i32>} : memref<640xf32, #tpu.memory_space<vmem>>, vector<16xf32>,
      %swap3A_70 = arith.constant 80 : index
      %swap3A_71 = tpu.vector_load %arg8[%swap3A_70] {strides = array<i32>} : memref<640xf32, #tpu.memory_space<vmem>>, vector<16xf32>,
      %swap3A_72 = vector.shape_cast %swap3A_71 : vector<16xf32> to vector<16xf32>
      %swap3A_73 = vector.shape_cast %broadcast_in_dim3A_49 : vector<16xf32> to vector<16xf32>
      tpu.vector_store %arg8[%swap3A_70], %swap3A_73 {strides = array<i32>} : memref<640xf32, #tpu.memory_space<vmem>>, vector<16xf32>,
      %swap3A_74 = arith.constant 96 : index
      %swap3A_75 = tpu.vector_load %arg8[%swap3A_74] {strides = array<i32>} : memref<640xf32, #tpu.memory_space<vmem>>, vector<16xf32>,
      %swap3A_76 = vector.shape_cast %swap3A_75 : vector<16xf32> to vector<16xf32>
      %swap3A_77 = vector.shape_cast %broadcast_in_dim3A_49 : vector<16xf32> to vector<16xf32>
      tpu.vector_store %arg8[%swap3A_74], %swap3A_77 {strides = array<i32>} : memref<640xf32, #tpu.memory_space<vmem>>, vector<16xf32>,
      %swap3A_78 = arith.constant 112 : index
      %swap3A_79 = tpu.vector_load %arg8[%swap3A_78] {strides = array<i32>} : memref<640xf32, #tpu.memory_space<vmem>>, vector<16xf32>,
      %swap3A_80 = vector.shape_cast %swap3A_79 : vector<16xf32> to vector<16xf32>
      %swap3A_81 = vector.shape_cast %broadcast_in_dim3A_49 : vector<16xf32> to vector<16xf32>
      tpu.vector_store %arg8[%swap3A_78], %swap3A_81 {strides = array<i32>} : memref<640xf32, #tpu.memory_space<vmem>>, vector<16xf32>,
      %swap3A_82 = arith.constant 128 : index
      %swap3A_83 = tpu.vector_load %arg8[%swap3A_82] {strides = array<i32>} : memref<640xf32, #tpu.memory_space<vmem>>, vector<16xf32>,
      %swap3A_84 = vector.shape_cast %swap3A_83 : vector<16xf32> to vector<16xf32>
      %swap3A_85 = vector.shape_cast %broadcast_in_dim3A_49 : vector<16xf32> to vector<16xf32>
      tpu.vector_store %arg8[%swap3A_82], %swap3A_85 {strides = array<i32>} : memref<640xf32, #tpu.memory_space<vmem>>, vector<16xf32>,
      %swap3A_86 = arith.constant 144 : index
      %swap3A_87 = tpu.vector_load %arg8[%swap3A_86] {strides = array<i32>} : memref<640xf32, #tpu.memory_space<vmem>>, vector<16xf32>,
      %swap3A_88 = vector.shape_cast %swap3A_87 : vector<16xf32> to vector<16xf32>
      %swap3A_89 = vector.shape_cast %broadcast_in_dim3A_49 : vector<16xf32> to vector<16xf32>
      tpu.vector_store %arg8[%swap3A_86], %swap3A_89 {strides = array<i32>} : memref<640xf32, #tpu.memory_space<vmem>>, vector<16xf32>,
      %swap3A_90 = arith.constant 160 : index
      %swap3A_91 = tpu.vector_load %arg8[%swap3A_90] {strides = array<i32>} : memref<640xf32, #tpu.memory_space<vmem>>, vector<16xf32>,
      %swap3A_92 = vector.shape_cast %swap3A_91 : vector<16xf32> to vector<16xf32>
      %swap3A_93 = vector.shape_cast %broadcast_in_dim3A_49 : vector<16xf32> to vector<16xf32>
      tpu.vector_store %arg8[%swap3A_90], %swap3A_93 {strides = array<i32>} : memref<640xf32, #tpu.memory_space<vmem>>, vector<16xf32>,
      %swap3A_94 = arith.constant 176 : index
      %swap3A_95 = tpu.vector_load %arg8[%swap3A_94] {strides = array<i32>} : memref<640xf32, #tpu.memory_space<vmem>>, vector<16xf32>,
      %swap3A_96 = vector.shape_cast %swap3A_95 : vector<16xf32> to vector<16xf32>
      %swap3A_97 = vector.shape_cast %broadcast_in_dim3A_49 : vector<16xf32> to vector<16xf32>
      tpu.vector_store %arg8[%swap3A_94], %swap3A_97 {strides = array<i32>} : memref<640xf32, #tpu.memory_space<vmem>>, vector<16xf32>,
      %swap3A_98 = arith.constant 192 : index
      %swap3A_99 = tpu.vector_load %arg8[%swap3A_98] {strides = array<i32>} : memref<640xf32, #tpu.memory_space<vmem>>, vector<16xf32>,
      %swap3A_100 = vector.shape_cast %swap3A_99 : vector<16xf32> to vector<16xf32>
      %swap3A_101 = vector.shape_cast %broadcast_in_dim3A_49 : vector<16xf32> to vector<16xf32>
      tpu.vector_store %arg8[%swap3A_98], %swap3A_101 {strides = array<i32>} : memref<640xf32, #tpu.memory_space<vmem>>, vector<16xf32>,
      %swap3A_102 = arith.constant 208 : index
      %swap3A_103 = tpu.vector_load %arg8[%swap3A_102] {strides = array<i32>} : memref<640xf32, #tpu.memory_space<vmem>>, vector<16xf32>,
      %swap3A_104 = vector.shape_cast %swap3A_103 : vector<16xf32> to vector<16xf32>
      %swap3A_105 = vector.shape_cast %broadcast_in_dim3A_49 : vector<16xf32> to vector<16xf32>
      tpu.vector_store %arg8[%swap3A_102], %swap3A_105 {strides = array<i32>} : memref<640xf32, #tpu.memory_space<vmem>>, vector<16xf32>,
      %swap3A_106 = arith.constant 224 : index
      %swap3A_107 = tpu.vector_load %arg8[%swap3A_106] {strides = array<i32>} : memref<640xf32, #tpu.memory_space<vmem>>, vector<16xf32>,
      %swap3A_108 = vector.shape_cast %swap3A_107 : vector<16xf32> to vector<16xf32>
      %swap3A_109 = vector.shape_cast %broadcast_in_dim3A_49 : vector<16xf32> to vector<16xf32>
      tpu.vector_store %arg8[%swap3A_106], %swap3A_109 {strides = array<i32>} : memref<640xf32, #tpu.memory_space<vmem>>, vector<16xf32>,
      %swap3A_110 = arith.constant 240 : index
      %swap3A_111 = tpu.vector_load %arg8[%swap3A_110] {strides = array<i32>} : memref<640xf32, #tpu.memory_space<vmem>>, vector<16xf32>,
      %swap3A_112 = vector.shape_cast %swap3A_111 : vector<16xf32> to vector<16xf32>
      %swap3A_113 = vector.shape_cast %broadcast_in_dim3A_49 : vector<16xf32> to vector<16xf32>
      tpu.vector_store %arg8[%swap3A_110], %swap3A_113 {strides = array<i32>} : memref<640xf32, #tpu.memory_space<vmem>>, vector<16xf32>,
      %swap3A_114 = arith.constant 256 : index
      %swap3A_115 = tpu.vector_load %arg8[%swap3A_114] {strides = array<i32>} : memref<640xf32, #tpu.memory_space<vmem>>, vector<16xf32>,
      %swap3A_116 = vector.shape_cast %swap3A_115 : vector<16xf32> to vector<16xf32>
      %swap3A_117 = vector.shape_cast %broadcast_in_dim3A_49 : vector<16xf32> to vector<16xf32>
      tpu.vector_store %arg8[%swap3A_114], %swap3A_117 {strides = array<i32>} : memref<640xf32, #tpu.memory_space<vmem>>, vector<16xf32>,
      %swap3A_118 = arith.constant 272 : index
      %swap3A_119 = tpu.vector_load %arg8[%swap3A_118] {strides = array<i32>} : memref<640xf32, #tpu.memory_space<vmem>>, vector<16xf32>,
      %swap3A_120 = vector.shape_cast %swap3A_119 : vector<16xf32> to vector<16xf32>
      %swap3A_121 = vector.shape_cast %broadcast_in_dim3A_49 : vector<16xf32> to vector<16xf32>
      tpu.vector_store %arg8[%swap3A_118], %swap3A_121 {strides = array<i32>} : memref<640xf32, #tpu.memory_space<vmem>>, vector<16xf32>,
      %swap3A_122 = arith.constant 288 : index
      %swap3A_123 = tpu.vector_load %arg8[%swap3A_122] {strides = array<i32>} : memref<640xf32, #tpu.memory_space<vmem>>, vector<16xf32>,
      %swap3A_124 = vector.shape_cast %swap3A_123 : vector<16xf32> to vector<16xf32>
      %swap3A_125 = vector.shape_cast %broadcast_in_dim3A_49 : vector<16xf32> to vector<16xf32>
      tpu.vector_store %arg8[%swap3A_122], %swap3A_125 {strides = array<i32>} : memref<640xf32, #tpu.memory_space<vmem>>, vector<16xf32>,
      %swap3A_126 = arith.constant 304 : index
      %swap3A_127 = tpu.vector_load %arg8[%swap3A_126] {strides = array<i32>} : memref<640xf32, #tpu.memory_space<vmem>>, vector<16xf32>,
      %swap3A_128 = vector.shape_cast %swap3A_127 : vector<16xf32> to vector<16xf32>
      %swap3A_129 = vector.shape_cast %broadcast_in_dim3A_49 : vector<16xf32> to vector<16xf32>
      tpu.vector_store %arg8[%swap3A_126], %swap3A_129 {strides = array<i32>} : memref<640xf32, #tpu.memory_space<vmem>>, vector<16xf32>,
      %swap3A_130 = arith.constant 320 : index
      %swap3A_131 = tpu.vector_load %arg8[%swap3A_130] {strides = array<i32>} : memref<640xf32, #tpu.memory_space<vmem>>, vector<16xf32>,
      %swap3A_132 = vector.shape_cast %swap3A_131 : vector<16xf32> to vector<16xf32>
      %swap3A_133 = vector.shape_cast %broadcast_in_dim3A_49 : vector<16xf32> to vector<16xf32>
      tpu.vector_store %arg8[%swap3A_130], %swap3A_133 {strides = array<i32>} : memref<640xf32, #tpu.memory_space<vmem>>, vector<16xf32>,
      %swap3A_134 = arith.constant 336 : index
      %swap3A_135 = tpu.vector_load %arg8[%swap3A_134] {strides = array<i32>} : memref<640xf32, #tpu.memory_space<vmem>>, vector<16xf32>,
      %swap3A_136 = vector.shape_cast %swap3A_135 : vector<16xf32> to vector<16xf32>
      %swap3A_137 = vector.shape_cast %broadcast_in_dim3A_49 : vector<16xf32> to vector<16xf32>
      tpu.vector_store %arg8[%swap3A_134], %swap3A_137 {strides = array<i32>} : memref<640xf32, #tpu.memory_space<vmem>>, vector<16xf32>,
      %swap3A_138 = arith.constant 352 : index
      %swap3A_139 = tpu.vector_load %arg8[%swap3A_138] {strides = array<i32>} : memref<640xf32, #tpu.memory_space<vmem>>, vector<16xf32>,
      %swap3A_140 = vector.shape_cast %swap3A_139 : vector<16xf32> to vector<16xf32>
      %swap3A_141 = vector.shape_cast %broadcast_in_dim3A_49 : vector<16xf32> to vector<16xf32>
      tpu.vector_store %arg8[%swap3A_138], %swap3A_141 {strides = array<i32>} : memref<640xf32, #tpu.memory_space<vmem>>, vector<16xf32>,
      %swap3A_142 = arith.constant 368 : index
      %swap3A_143 = tpu.vector_load %arg8[%swap3A_142] {strides = array<i32>} : memref<640xf32, #tpu.memory_space<vmem>>, vector<16xf32>,
      %swap3A_144 = vector.shape_cast %swap3A_143 : vector<16xf32> to vector<16xf32>
      %swap3A_145 = vector.shape_cast %broadcast_in_dim3A_49 : vector<16xf32> to vector<16xf32>
      tpu.vector_store %arg8[%swap3A_142], %swap3A_145 {strides = array<i32>} : memref<640xf32, #tpu.memory_space<vmem>>, vector<16xf32>,
      %swap3A_146 = arith.constant 384 : index
      %swap3A_147 = tpu.vector_load %arg8[%swap3A_146] {strides = array<i32>} : memref<640xf32, #tpu.memory_space<vmem>>, vector<16xf32>,
      %swap3A_148 = vector.shape_cast %swap3A_147 : vector<16xf32> to vector<16xf32>
      %swap3A_149 = vector.shape_cast %broadcast_in_dim3A_49 : vector<16xf32> to vector<16xf32>
      tpu.vector_store %arg8[%swap3A_146], %swap3A_149 {strides = array<i32>} : memref<640xf32, #tpu.memory_space<vmem>>, vector<16xf32>,
      %swap3A_150 = arith.constant 400 : index
      %swap3A_151 = tpu.vector_load %arg8[%swap3A_150] {strides = array<i32>} : memref<640xf32, #tpu.memory_space<vmem>>, vector<16xf32>,
      %swap3A_152 = vector.shape_cast %swap3A_151 : vector<16xf32> to vector<16xf32>
      %swap3A_153 = vector.shape_cast %broadcast_in_dim3A_49 : vector<16xf32> to vector<16xf32>
      tpu.vector_store %arg8[%swap3A_150], %swap3A_153 {strides = array<i32>} : memref<640xf32, #tpu.memory_space<vmem>>, vector<16xf32>,
      %swap3A_154 = arith.constant 416 : index
      %swap3A_155 = tpu.vector_load %arg8[%swap3A_154] {strides = array<i32>} : memref<640xf32, #tpu.memory_space<vmem>>, vector<16xf32>,
      %swap3A_156 = vector.shape_cast %swap3A_155 : vector<16xf32> to vector<16xf32>
      %swap3A_157 = vector.shape_cast %broadcast_in_dim3A_49 : vector<16xf32> to vector<16xf32>
      tpu.vector_store %arg8[%swap3A_154], %swap3A_157 {strides = array<i32>} : memref<640xf32, #tpu.memory_space<vmem>>, vector<16xf32>,
      %swap3A_158 = arith.constant 432 : index
      %swap3A_159 = tpu.vector_load %arg8[%swap3A_158] {strides = array<i32>} : memref<640xf32, #tpu.memory_space<vmem>>, vector<16xf32>,
      %swap3A_160 = vector.shape_cast %swap3A_159 : vector<16xf32> to vector<16xf32>
      %swap3A_161 = vector.shape_cast %broadcast_in_dim3A_49 : vector<16xf32> to vector<16xf32>
      tpu.vector_store %arg8[%swap3A_158], %swap3A_161 {strides = array<i32>} : memref<640xf32, #tpu.memory_space<vmem>>, vector<16xf32>,
      %swap3A_162 = arith.constant 448 : index
      %swap3A_163 = tpu.vector_load %arg8[%swap3A_162] {strides = array<i32>} : memref<640xf32, #tpu.memory_space<vmem>>, vector<16xf32>,
      %swap3A_164 = vector.shape_cast %swap3A_163 : vector<16xf32> to vector<16xf32>
      %swap3A_165 = vector.shape_cast %broadcast_in_dim3A_49 : vector<16xf32> to vector<16xf32>
      tpu.vector_store %arg8[%swap3A_162], %swap3A_165 {strides = array<i32>} : memref<640xf32, #tpu.memory_space<vmem>>, vector<16xf32>,
      %swap3A_166 = arith.constant 464 : index
      %swap3A_167 = tpu.vector_load %arg8[%swap3A_166] {strides = array<i32>} : memref<640xf32, #tpu.memory_space<vmem>>, vector<16xf32>,
      %swap3A_168 = vector.shape_cast %swap3A_167 : vector<16xf32> to vector<16xf32>
      %swap3A_169 = vector.shape_cast %broadcast_in_dim3A_49 : vector<16xf32> to vector<16xf32>
      tpu.vector_store %arg8[%swap3A_166], %swap3A_169 {strides = array<i32>} : memref<640xf32, #tpu.memory_space<vmem>>, vector<16xf32>,
      %swap3A_170 = arith.constant 480 : index
      %swap3A_171 = tpu.vector_load %arg8[%swap3A_170] {strides = array<i32>} : memref<640xf32, #tpu.memory_space<vmem>>, vector<16xf32>,
      %swap3A_172 = vector.shape_cast %swap3A_171 : vector<16xf32> to vector<16xf32>
      %swap3A_173 = vector.shape_cast %broadcast_in_dim3A_49 : vector<16xf32> to vector<16xf32>
      tpu.vector_store %arg8[%swap3A_170], %swap3A_173 {strides = array<i32>} : memref<640xf32, #tpu.memory_space<vmem>>, vector<16xf32>,
      %swap3A_174 = arith.constant 496 : index
      %swap3A_175 = tpu.vector_load %arg8[%swap3A_174] {strides = array<i32>} : memref<640xf32, #tpu.memory_space<vmem>>, vector<16xf32>,
      %swap3A_176 = vector.shape_cast %swap3A_175 : vector<16xf32> to vector<16xf32>
      %swap3A_177 = vector.shape_cast %broadcast_in_dim3A_49 : vector<16xf32> to vector<16xf32>
      tpu.vector_store %arg8[%swap3A_174], %swap3A_177 {strides = array<i32>} : memref<640xf32, #tpu.memory_space<vmem>>, vector<16xf32>,
      %swap3A_178 = arith.constant 512 : index
      %swap3A_179 = tpu.vector_load %arg8[%swap3A_178] {strides = array<i32>} : memref<640xf32, #tpu.memory_space<vmem>>, vector<16xf32>,
      %swap3A_180 = vector.shape_cast %swap3A_179 : vector<16xf32> to vector<16xf32>
      %swap3A_181 = vector.shape_cast %broadcast_in_dim3A_49 : vector<16xf32> to vector<16xf32>
      tpu.vector_store %arg8[%swap3A_178], %swap3A_181 {strides = array<i32>} : memref<640xf32, #tpu.memory_space<vmem>>, vector<16xf32>,
      %swap3A_182 = arith.constant 528 : index
      %swap3A_183 = tpu.vector_load %arg8[%swap3A_182] {strides = array<i32>} : memref<640xf32, #tpu.memory_space<vmem>>, vector<16xf32>,
      %swap3A_184 = vector.shape_cast %swap3A_183 : vector<16xf32> to vector<16xf32>
      %swap3A_185 = vector.shape_cast %broadcast_in_dim3A_49 : vector<16xf32> to vector<16xf32>
      tpu.vector_store %arg8[%swap3A_182], %swap3A_185 {strides = array<i32>} : memref<640xf32, #tpu.memory_space<vmem>>, vector<16xf32>,
      %swap3A_186 = arith.constant 544 : index
      %swap3A_187 = tpu.vector_load %arg8[%swap3A_186] {strides = array<i32>} : memref<640xf32, #tpu.memory_space<vmem>>, vector<16xf32>,
      %swap3A_188 = vector.shape_cast %swap3A_187 : vector<16xf32> to vector<16xf32>
      %swap3A_189 = vector.shape_cast %broadcast_in_dim3A_49 : vector<16xf32> to vector<16xf32>
      tpu.vector_store %arg8[%swap3A_186], %swap3A_189 {strides = array<i32>} : memref<640xf32, #tpu.memory_space<vmem>>, vector<16xf32>,
      %swap3A_190 = arith.constant 560 : index
      %swap3A_191 = tpu.vector_load %arg8[%swap3A_190] {strides = array<i32>} : memref<640xf32, #tpu.memory_space<vmem>>, vector<16xf32>,
      %swap3A_192 = vector.shape_cast %swap3A_191 : vector<16xf32> to vector<16xf32>
      %swap3A_193 = vector.shape_cast %broadcast_in_dim3A_49 : vector<16xf32> to vector<16xf32>
      tpu.vector_store %arg8[%swap3A_190], %swap3A_193 {strides = array<i32>} : memref<640xf32, #tpu.memory_space<vmem>>, vector<16xf32>,
      %swap3A_194 = arith.constant 576 : index
      %swap3A_195 = tpu.vector_load %arg8[%swap3A_194] {strides = array<i32>} : memref<640xf32, #tpu.memory_space<vmem>>, vector<16xf32>,
      %swap3A_196 = vector.shape_cast %swap3A_195 : vector<16xf32> to vector<16xf32>
      %swap3A_197 = vector.shape_cast %broadcast_in_dim3A_49 : vector<16xf32> to vector<16xf32>
      tpu.vector_store %arg8[%swap3A_194], %swap3A_197 {strides = array<i32>} : memref<640xf32, #tpu.memory_space<vmem>>, vector<16xf32>,
      %swap3A_198 = arith.constant 592 : index
      %swap3A_199 = tpu.vector_load %arg8[%swap3A_198] {strides = array<i32>} : memref<640xf32, #tpu.memory_space<vmem>>, vector<16xf32>,
      %swap3A_200 = vector.shape_cast %swap3A_199 : vector<16xf32> to vector<16xf32>
      %swap3A_201 = vector.shape_cast %broadcast_in_dim3A_49 : vector<16xf32> to vector<16xf32>
      tpu.vector_store %arg8[%swap3A_198], %swap3A_201 {strides = array<i32>} : memref<640xf32, #tpu.memory_space<vmem>>, vector<16xf32>,
      %swap3A_202 = arith.constant 608 : index
      %swap3A_203 = tpu.vector_load %arg8[%swap3A_202] {strides = array<i32>} : memref<640xf32, #tpu.memory_space<vmem>>, vector<16xf32>,
      %swap3A_204 = vector.shape_cast %swap3A_203 : vector<16xf32> to vector<16xf32>
      %swap3A_205 = vector.shape_cast %broadcast_in_dim3A_49 : vector<16xf32> to vector<16xf32>
      tpu.vector_store %arg8[%swap3A_202], %swap3A_205 {strides = array<i32>} : memref<640xf32, #tpu.memory_space<vmem>>, vector<16xf32>,
      %swap3A_206 = arith.constant 624 : index
      %swap3A_207 = tpu.vector_load %arg8[%swap3A_206] {strides = array<i32>} : memref<640xf32, #tpu.memory_space<vmem>>, vector<16xf32>,
      %swap3A_208 = vector.shape_cast %swap3A_207 : vector<16xf32> to vector<16xf32>
      %swap3A_209 = vector.shape_cast %broadcast_in_dim3A_49 : vector<16xf32> to vector<16xf32>
      tpu.vector_store %arg8[%swap3A_206], %swap3A_209 {strides = array<i32>} : memref<640xf32, #tpu.memory_space<vmem>>, vector<16xf32>,
      "tpu.region"() ({
        %run_scoped3A = tpu.sem_alloc : memref<!tpu.dma_semaphore, #tpu.memory_space<semaphore_mem>>
        tpu.enqueue_dma source(%arg8 : memref<640xf32, #tpu.memory_space<vmem>>) target(%arg9 : memref<640xf32, #tpu.memory_space<vmem_shared>>) target_semaphore(%run_scoped3A : memref<!tpu.dma_semaphore, #tpu.memory_space<semaphore_mem>>)
        tpu.wait_dma2 semaphore(%run_scoped3A : memref<!tpu.dma_semaphore, #tpu.memory_space<semaphore_mem>>) src(%arg8 : memref<640xf32, #tpu.memory_space<vmem>>) dst(%arg9 : memref<640xf32, #tpu.memory_space<vmem_shared>>)
        tpu.yield
      }) : () -> ()
      "tpu.region"() ({
        %run_scoped3A = tpu.sem_alloc : memref<!tpu.dma_semaphore, #tpu.memory_space<semaphore_mem>>
        tpu.enqueue_dma source(%arg8 : memref<640xf32, #tpu.memory_space<vmem>>) target(%arg10 : memref<640xf32, #tpu.memory_space<vmem_shared>>) target_semaphore(%run_scoped3A : memref<!tpu.dma_semaphore, #tpu.memory_space<semaphore_mem>>)
        tpu.wait_dma2 semaphore(%run_scoped3A : memref<!tpu.dma_semaphore, #tpu.memory_space<semaphore_mem>>) src(%arg8 : memref<640xf32, #tpu.memory_space<vmem>>) dst(%arg10 : memref<640xf32, #tpu.memory_space<vmem_shared>>)
        tpu.yield
      }) : () -> ()
    } else {
    }
    %mul3A_35 = arith.constant 3200 : i32
    %mul3A_36 = arith.muli %add3A, %mul3A_35 : i32
    "tpu.region"() ({
      %run_scoped3A = tpu.sem_alloc : memref<!tpu.dma_semaphore, #tpu.memory_space<semaphore_mem>>
      %dma_start3A = tpu.memref_slice %arg2[%mul3A_36] : memref<102400xf32, #tpu.memory_space<hbm>> -> memref<3200xf32, #tpu.memory_space<hbm>>
      %dma_start3A_48 = tpu.memref_slice %arg2[%mul3A_36] : memref<102400xf32, #tpu.memory_space<hbm>> -> memref<3200xf32, #tpu.memory_space<hbm>>
      tpu.enqueue_dma source(%dma_start3A_48 : memref<3200xf32, #tpu.memory_space<hbm>>) target(%arg5 : memref<3200xf32, #tpu.memory_space<vmem>>) target_semaphore(%run_scoped3A : memref<!tpu.dma_semaphore, #tpu.memory_space<semaphore_mem>>)
      %dma_wait3A = tpu.memref_slice %arg2[%mul3A_36] : memref<102400xf32, #tpu.memory_space<hbm>> -> memref<3200xf32, #tpu.memory_space<hbm>>
      %dma_wait3A_49 = tpu.memref_slice %arg2[%mul3A_36] : memref<102400xf32, #tpu.memory_space<hbm>> -> memref<3200xf32, #tpu.memory_space<hbm>>
      tpu.wait_dma2 semaphore(%run_scoped3A : memref<!tpu.dma_semaphore, #tpu.memory_space<semaphore_mem>>) src(%dma_wait3A_49 : memref<3200xf32, #tpu.memory_space<hbm>>) dst(%arg5 : memref<3200xf32, #tpu.memory_space<vmem>>)
      tpu.yield
    }) : () -> ()
    "tpu.region"() ({
      %run_scoped3A = tpu.sem_alloc : memref<!tpu.dma_semaphore, #tpu.memory_space<semaphore_mem>>
      %dma_start3A = arith.constant 0 : i32
      %dma_start3A_48 = arith.constant 0 : i32
      %dma_start3A_49 = tpu.memref_slice %arg3[%add3A, %dma_start3A, %dma_start3A_48] : memref<32x25x128xi32, #tpu.memory_space<hbm>> -> memref<1x25x128xi32, #tpu.memory_space<hbm>>
      %dma_start3A_50 = tpu.memref_squeeze %dma_start3A_49 : memref<1x25x128xi32, #tpu.memory_space<hbm>> -> memref<25x128xi32, #tpu.memory_space<hbm>>
      %dma_start3A_51 = arith.constant 0 : i32
      %dma_start3A_52 = arith.constant 0 : i32
      %dma_start3A_53 = tpu.memref_slice %arg3[%add3A, %dma_start3A_51, %dma_start3A_52] : memref<32x25x128xi32, #tpu.memory_space<hbm>> -> memref<1x25x128xi32, #tpu.memory_space<hbm>>
      %dma_start3A_54 = tpu.memref_squeeze %dma_start3A_53 : memref<1x25x128xi32, #tpu.memory_space<hbm>> -> memref<25x128xi32, #tpu.memory_space<hbm>>
      tpu.enqueue_dma source(%dma_start3A_54 : memref<25x128xi32, #tpu.memory_space<hbm>>) target(%arg6 : memref<25x128xi32, #tpu.memory_space<vmem>>) target_semaphore(%run_scoped3A : memref<!tpu.dma_semaphore, #tpu.memory_space<semaphore_mem>>)
      %dma_wait3A = arith.constant 0 : i32
      %dma_wait3A_55 = arith.constant 0 : i32
      %dma_wait3A_56 = tpu.memref_slice %arg3[%add3A, %dma_wait3A, %dma_wait3A_55] : memref<32x25x128xi32, #tpu.memory_space<hbm>> -> memref<1x25x128xi32, #tpu.memory_space<hbm>>
      %dma_wait3A_57 = tpu.memref_squeeze %dma_wait3A_56 : memref<1x25x128xi32, #tpu.memory_space<hbm>> -> memref<25x128xi32, #tpu.memory_space<hbm>>
      %dma_wait3A_58 = arith.constant 0 : i32
      %dma_wait3A_59 = arith.constant 0 : i32
      %dma_wait3A_60 = tpu.memref_slice %arg3[%add3A, %dma_wait3A_58, %dma_wait3A_59] : memref<32x25x128xi32, #tpu.memory_space<hbm>> -> memref<1x25x128xi32, #tpu.memory_space<hbm>>
      %dma_wait3A_61 = tpu.memref_squeeze %dma_wait3A_60 : memref<1x25x128xi32, #tpu.memory_space<hbm>> -> memref<25x128xi32, #tpu.memory_space<hbm>>
      tpu.wait_dma2 semaphore(%run_scoped3A : memref<!tpu.dma_semaphore, #tpu.memory_space<semaphore_mem>>) src(%dma_wait3A_61 : memref<25x128xi32, #tpu.memory_space<hbm>>) dst(%arg6 : memref<25x128xi32, #tpu.memory_space<vmem>>)
      tpu.yield
    }) : () -> ()
    %barrier3A = arith.constant 0 : index
    tpu.barrier barrier_id(%barrier3A)
    %scan3A = arith.constant 0 : i32
    %scan3A_37 = arith.constant 0 : i32
    %scan3A_38 = arith.constant 5 : i32
    %scan3A_39 = arith.addi %scan3A_37, %scan3A_38 : i32
    %scan3A_40 = arith.constant 1 : i32
    scf.for %scan3A_48 = %scan3A_37 to %scan3A_39 step %scan3A_40  : i32 {
      %mul3A_49 = arith.constant 5 : i32
      %mul3A_50 = arith.muli %scan3A_48, %mul3A_49 : i32
      %add3A_51 = arith.constant 0 : i32
      %add3A_52 = arith.addi %mul3A_50, %add3A_51 : i32
      %mul3A_53 = arith.constant 128 : i32
      %mul3A_54 = arith.muli %add3A_52, %mul3A_53 : i32
      %dma_start3A = tpu.memref_slice %arg5[%mul3A_54] : memref<3200xf32, #tpu.memory_space<vmem>> -> memref<128xf32, #tpu.memory_space<vmem>>
      %dma_start3A_55 = arith.constant 0 : i32
      %dma_start3A_56 = tpu.memref_slice %arg6[%add3A_52, %dma_start3A_55] : memref<25x128xi32, #tpu.memory_space<vmem>> -> memref<1x128xi32, #tpu.memory_space<vmem>>
      %dma_start3A_57 = tpu.memref_squeeze %dma_start3A_56 : memref<1x128xi32, #tpu.memory_space<vmem>> -> memref<128xi32, #tpu.memory_space<vmem>>
      %dma_start3A_58 = arith.constant 0 : i32
      %dma_start3A_59 = tpu.memref_slice %arg9[%dma_start3A_58] : memref<640xf32, #tpu.memory_space<vmem_shared>> -> memref<640xf32, #tpu.memory_space<vmem_shared>>
      tpu.enqueue_indirect_dma source(%dma_start3A : memref<128xf32, #tpu.memory_space<vmem>>) target(%dma_start3A_59 : memref<640xf32, #tpu.memory_space<vmem_shared>>) offsets(%dma_start3A_57 : memref<128xi32, #tpu.memory_space<vmem>>) semaphore(%arg11 : memref<!tpu.dma_semaphore, #tpu.memory_space<semaphore_mem>>) {add = true}
      %dma_start3A_60 = arith.constant 0 : i32
      %dma_start3A_61 = tpu.memref_slice %arg6[%add3A_52, %dma_start3A_60] : memref<25x128xi32, #tpu.memory_space<vmem>> -> memref<1x128xi32, #tpu.memory_space<vmem>>
      %dma_start3A_62 = tpu.memref_squeeze %dma_start3A_61 : memref<1x128xi32, #tpu.memory_space<vmem>> -> memref<128xi32, #tpu.memory_space<vmem>>
      %dma_start3A_63 = arith.constant 0 : i32
      %dma_start3A_64 = tpu.memref_slice %arg10[%dma_start3A_63] : memref<640xf32, #tpu.memory_space<vmem_shared>> -> memref<640xf32, #tpu.memory_space<vmem_shared>>
      tpu.enqueue_indirect_dma source(%arg7 : memref<128xf32, #tpu.memory_space<vmem>>) target(%dma_start3A_64 : memref<640xf32, #tpu.memory_space<vmem_shared>>) offsets(%dma_start3A_62 : memref<128xi32, #tpu.memory_space<vmem>>) semaphore(%arg11 : memref<!tpu.dma_semaphore, #tpu.memory_space<semaphore_mem>>) {add = true}
      %mul3A_65 = arith.constant 5 : i32
      %mul3A_66 = arith.muli %scan3A_48, %mul3A_65 : i32
      %add3A_67 = arith.constant 1 : i32
      %add3A_68 = arith.addi %mul3A_66, %add3A_67 : i32
      %mul3A_69 = arith.constant 128 : i32
      %mul3A_70 = arith.muli %add3A_68, %mul3A_69 : i32
      %dma_start3A_71 = tpu.memref_slice %arg5[%mul3A_70] : memref<3200xf32, #tpu.memory_space<vmem>> -> memref<128xf32, #tpu.memory_space<vmem>>
      %dma_start3A_72 = arith.constant 0 : i32
      %dma_start3A_73 = tpu.memref_slice %arg6[%add3A_68, %dma_start3A_72] : memref<25x128xi32, #tpu.memory_space<vmem>> -> memref<1x128xi32, #tpu.memory_space<vmem>>
      %dma_start3A_74 = tpu.memref_squeeze %dma_start3A_73 : memref<1x128xi32, #tpu.memory_space<vmem>> -> memref<128xi32, #tpu.memory_space<vmem>>
      %dma_start3A_75 = arith.constant 0 : i32
      %dma_start3A_76 = tpu.memref_slice %arg9[%dma_start3A_75] : memref<640xf32, #tpu.memory_space<vmem_shared>> -> memref<640xf32, #tpu.memory_space<vmem_shared>>
      tpu.enqueue_indirect_dma source(%dma_start3A_71 : memref<128xf32, #tpu.memory_space<vmem>>) target(%dma_start3A_76 : memref<640xf32, #tpu.memory_space<vmem_shared>>) offsets(%dma_start3A_74 : memref<128xi32, #tpu.memory_space<vmem>>) semaphore(%arg11 : memref<!tpu.dma_semaphore, #tpu.memory_space<semaphore_mem>>) {add = true}
      %dma_start3A_77 = arith.constant 0 : i32
      %dma_start3A_78 = tpu.memref_slice %arg6[%add3A_68, %dma_start3A_77] : memref<25x128xi32, #tpu.memory_space<vmem>> -> memref<1x128xi32, #tpu.memory_space<vmem>>
      %dma_start3A_79 = tpu.memref_squeeze %dma_start3A_78 : memref<1x128xi32, #tpu.memory_space<vmem>> -> memref<128xi32, #tpu.memory_space<vmem>>
      %dma_start3A_80 = arith.constant 0 : i32
      %dma_start3A_81 = tpu.memref_slice %arg10[%dma_start3A_80] : memref<640xf32, #tpu.memory_space<vmem_shared>> -> memref<640xf32, #tpu.memory_space<vmem_shared>>
      tpu.enqueue_indirect_dma source(%arg7 : memref<128xf32, #tpu.memory_space<vmem>>) target(%dma_start3A_81 : memref<640xf32, #tpu.memory_space<vmem_shared>>) offsets(%dma_start3A_79 : memref<128xi32, #tpu.memory_space<vmem>>) semaphore(%arg11 : memref<!tpu.dma_semaphore, #tpu.memory_space<semaphore_mem>>) {add = true}
      %mul3A_82 = arith.constant 5 : i32
      %mul3A_83 = arith.muli %scan3A_48, %mul3A_82 : i32
      %add3A_84 = arith.constant 2 : i32
      %add3A_85 = arith.addi %mul3A_83, %add3A_84 : i32
      %mul3A_86 = arith.constant 128 : i32
      %mul3A_87 = arith.muli %add3A_85, %mul3A_86 : i32
      %dma_start3A_88 = tpu.memref_slice %arg5[%mul3A_87] : memref<3200xf32, #tpu.memory_space<vmem>> -> memref<128xf32, #tpu.memory_space<vmem>>
      %dma_start3A_89 = arith.constant 0 : i32
      %dma_start3A_90 = tpu.memref_slice %arg6[%add3A_85, %dma_start3A_89] : memref<25x128xi32, #tpu.memory_space<vmem>> -> memref<1x128xi32, #tpu.memory_space<vmem>>
      %dma_start3A_91 = tpu.memref_squeeze %dma_start3A_90 : memref<1x128xi32, #tpu.memory_space<vmem>> -> memref<128xi32, #tpu.memory_space<vmem>>
      %dma_start3A_92 = arith.constant 0 : i32
      %dma_start3A_93 = tpu.memref_slice %arg9[%dma_start3A_92] : memref<640xf32, #tpu.memory_space<vmem_shared>> -> memref<640xf32, #tpu.memory_space<vmem_shared>>
      tpu.enqueue_indirect_dma source(%dma_start3A_88 : memref<128xf32, #tpu.memory_space<vmem>>) target(%dma_start3A_93 : memref<640xf32, #tpu.memory_space<vmem_shared>>) offsets(%dma_start3A_91 : memref<128xi32, #tpu.memory_space<vmem>>) semaphore(%arg11 : memref<!tpu.dma_semaphore, #tpu.memory_space<semaphore_mem>>) {add = true}
      %dma_start3A_94 = arith.constant 0 : i32
      %dma_start3A_95 = tpu.memref_slice %arg6[%add3A_85, %dma_start3A_94] : memref<25x128xi32, #tpu.memory_space<vmem>> -> memref<1x128xi32, #tpu.memory_space<vmem>>
      %dma_start3A_96 = tpu.memref_squeeze %dma_start3A_95 : memref<1x128xi32, #tpu.memory_space<vmem>> -> memref<128xi32, #tpu.memory_space<vmem>>
      %dma_start3A_97 = arith.constant 0 : i32
      %dma_start3A_98 = tpu.memref_slice %arg10[%dma_start3A_97] : memref<640xf32, #tpu.memory_space<vmem_shared>> -> memref<640xf32, #tpu.memory_space<vmem_shared>>
      tpu.enqueue_indirect_dma source(%arg7 : memref<128xf32, #tpu.memory_space<vmem>>) target(%dma_start3A_98 : memref<640xf32, #tpu.memory_space<vmem_shared>>) offsets(%dma_start3A_96 : memref<128xi32, #tpu.memory_space<vmem>>) semaphore(%arg11 : memref<!tpu.dma_semaphore, #tpu.memory_space<semaphore_mem>>) {add = true}
      %mul3A_99 = arith.constant 5 : i32
      %mul3A_100 = arith.muli %scan3A_48, %mul3A_99 : i32
      %add3A_101 = arith.constant 3 : i32
      %add3A_102 = arith.addi %mul3A_100, %add3A_101 : i32
      %mul3A_103 = arith.constant 128 : i32
      %mul3A_104 = arith.muli %add3A_102, %mul3A_103 : i32
      %dma_start3A_105 = tpu.memref_slice %arg5[%mul3A_104] : memref<3200xf32, #tpu.memory_space<vmem>> -> memref<128xf32, #tpu.memory_space<vmem>>
      %dma_start3A_106 = arith.constant 0 : i32
      %dma_start3A_107 = tpu.memref_slice %arg6[%add3A_102, %dma_start3A_106] : memref<25x128xi32, #tpu.memory_space<vmem>> -> memref<1x128xi32, #tpu.memory_space<vmem>>
      %dma_start3A_108 = tpu.memref_squeeze %dma_start3A_107 : memref<1x128xi32, #tpu.memory_space<vmem>> -> memref<128xi32, #tpu.memory_space<vmem>>
      %dma_start3A_109 = arith.constant 0 : i32
      %dma_start3A_110 = tpu.memref_slice %arg9[%dma_start3A_109] : memref<640xf32, #tpu.memory_space<vmem_shared>> -> memref<640xf32, #tpu.memory_space<vmem_shared>>
      tpu.enqueue_indirect_dma source(%dma_start3A_105 : memref<128xf32, #tpu.memory_space<vmem>>) target(%dma_start3A_110 : memref<640xf32, #tpu.memory_space<vmem_shared>>) offsets(%dma_start3A_108 : memref<128xi32, #tpu.memory_space<vmem>>) semaphore(%arg11 : memref<!tpu.dma_semaphore, #tpu.memory_space<semaphore_mem>>) {add = true}
      %dma_start3A_111 = arith.constant 0 : i32
      %dma_start3A_112 = tpu.memref_slice %arg6[%add3A_102, %dma_start3A_111] : memref<25x128xi32, #tpu.memory_space<vmem>> -> memref<1x128xi32, #tpu.memory_space<vmem>>
      %dma_start3A_113 = tpu.memref_squeeze %dma_start3A_112 : memref<1x128xi32, #tpu.memory_space<vmem>> -> memref<128xi32, #tpu.memory_space<vmem>>
      %dma_start3A_114 = arith.constant 0 : i32
      %dma_start3A_115 = tpu.memref_slice %arg10[%dma_start3A_114] : memref<640xf32, #tpu.memory_space<vmem_shared>> -> memref<640xf32, #tpu.memory_space<vmem_shared>>
      tpu.enqueue_indirect_dma source(%arg7 : memref<128xf32, #tpu.memory_space<vmem>>) target(%dma_start3A_115 : memref<640xf32, #tpu.memory_space<vmem_shared>>) offsets(%dma_start3A_113 : memref<128xi32, #tpu.memory_space<vmem>>) semaphore(%arg11 : memref<!tpu.dma_semaphore, #tpu.memory_space<semaphore_mem>>) {add = true}
      %mul3A_116 = arith.constant 5 : i32
      %mul3A_117 = arith.muli %scan3A_48, %mul3A_116 : i32
      %add3A_118 = arith.constant 4 : i32
      %add3A_119 = arith.addi %mul3A_117, %add3A_118 : i32
      %mul3A_120 = arith.constant 128 : i32
      %mul3A_121 = arith.muli %add3A_119, %mul3A_120 : i32
      %dma_start3A_122 = tpu.memref_slice %arg5[%mul3A_121] : memref<3200xf32, #tpu.memory_space<vmem>> -> memref<128xf32, #tpu.memory_space<vmem>>
      %dma_start3A_123 = arith.constant 0 : i32
      %dma_start3A_124 = tpu.memref_slice %arg6[%add3A_119, %dma_start3A_123] : memref<25x128xi32, #tpu.memory_space<vmem>> -> memref<1x128xi32, #tpu.memory_space<vmem>>
      %dma_start3A_125 = tpu.memref_squeeze %dma_start3A_124 : memref<1x128xi32, #tpu.memory_space<vmem>> -> memref<128xi32, #tpu.memory_space<vmem>>
      %dma_start3A_126 = arith.constant 0 : i32
      %dma_start3A_127 = tpu.memref_slice %arg9[%dma_start3A_126] : memref<640xf32, #tpu.memory_space<vmem_shared>> -> memref<640xf32, #tpu.memory_space<vmem_shared>>
      tpu.enqueue_indirect_dma source(%dma_start3A_122 : memref<128xf32, #tpu.memory_space<vmem>>) target(%dma_start3A_127 : memref<640xf32, #tpu.memory_space<vmem_shared>>) offsets(%dma_start3A_125 : memref<128xi32, #tpu.memory_space<vmem>>) semaphore(%arg11 : memref<!tpu.dma_semaphore, #tpu.memory_space<semaphore_mem>>) {add = true}
      %dma_start3A_128 = arith.constant 0 : i32
      %dma_start3A_129 = tpu.memref_slice %arg6[%add3A_119, %dma_start3A_128] : memref<25x128xi32, #tpu.memory_space<vmem>> -> memref<1x128xi32, #tpu.memory_space<vmem>>
      %dma_start3A_130 = tpu.memref_squeeze %dma_start3A_129 : memref<1x128xi32, #tpu.memory_space<vmem>> -> memref<128xi32, #tpu.memory_space<vmem>>
      %dma_start3A_131 = arith.constant 0 : i32
      %dma_start3A_132 = tpu.memref_slice %arg10[%dma_start3A_131] : memref<640xf32, #tpu.memory_space<vmem_shared>> -> memref<640xf32, #tpu.memory_space<vmem_shared>>
      tpu.enqueue_indirect_dma source(%arg7 : memref<128xf32, #tpu.memory_space<vmem>>) target(%dma_start3A_132 : memref<640xf32, #tpu.memory_space<vmem_shared>>) offsets(%dma_start3A_130 : memref<128xi32, #tpu.memory_space<vmem>>) semaphore(%arg11 : memref<!tpu.dma_semaphore, #tpu.memory_space<semaphore_mem>>) {add = true}
      %dma_wait3A = tpu.memref_slice %arg5[%mul3A_54] : memref<3200xf32, #tpu.memory_space<vmem>> -> memref<128xf32, #tpu.memory_space<vmem>>
      %dma_wait3A_133 = arith.constant 0 : i32
      %dma_wait3A_134 = tpu.memref_slice %arg6[%add3A_52, %dma_wait3A_133] : memref<25x128xi32, #tpu.memory_space<vmem>> -> memref<1x128xi32, #tpu.memory_space<vmem>>
      %dma_wait3A_135 = tpu.memref_squeeze %dma_wait3A_134 : memref<1x128xi32, #tpu.memory_space<vmem>> -> memref<128xi32, #tpu.memory_space<vmem>>
      %dma_wait3A_136 = arith.constant 0 : i32
      %dma_wait3A_137 = tpu.memref_slice %arg9[%dma_wait3A_136] : memref<640xf32, #tpu.memory_space<vmem_shared>> -> memref<640xf32, #tpu.memory_space<vmem_shared>>
      tpu.wait_indirect_dma semaphore(%arg11 : memref<!tpu.dma_semaphore, #tpu.memory_space<semaphore_mem>>) src(%dma_wait3A : memref<128xf32, #tpu.memory_space<vmem>>) dst(%dma_wait3A_137 : memref<640xf32, #tpu.memory_space<vmem_shared>>)
      %dma_wait3A_138 = arith.constant 0 : i32
      %dma_wait3A_139 = tpu.memref_slice %arg6[%add3A_52, %dma_wait3A_138] : memref<25x128xi32, #tpu.memory_space<vmem>> -> memref<1x128xi32, #tpu.memory_space<vmem>>
      %dma_wait3A_140 = tpu.memref_squeeze %dma_wait3A_139 : memref<1x128xi32, #tpu.memory_space<vmem>> -> memref<128xi32, #tpu.memory_space<vmem>>
      %dma_wait3A_141 = arith.constant 0 : i32
      %dma_wait3A_142 = tpu.memref_slice %arg10[%dma_wait3A_141] : memref<640xf32, #tpu.memory_space<vmem_shared>> -> memref<640xf32, #tpu.memory_space<vmem_shared>>
      tpu.wait_indirect_dma semaphore(%arg11 : memref<!tpu.dma_semaphore, #tpu.memory_space<semaphore_mem>>) src(%arg7 : memref<128xf32, #tpu.memory_space<vmem>>) dst(%dma_wait3A_142 : memref<640xf32, #tpu.memory_space<vmem_shared>>)
      %dma_wait3A_143 = tpu.memref_slice %arg5[%mul3A_70] : memref<3200xf32, #tpu.memory_space<vmem>> -> memref<128xf32, #tpu.memory_space<vmem>>
      %dma_wait3A_144 = arith.constant 0 : i32
      %dma_wait3A_145 = tpu.memref_slice %arg6[%add3A_68, %dma_wait3A_144] : memref<25x128xi32, #tpu.memory_space<vmem>> -> memref<1x128xi32, #tpu.memory_space<vmem>>
      %dma_wait3A_146 = tpu.memref_squeeze %dma_wait3A_145 : memref<1x128xi32, #tpu.memory_space<vmem>> -> memref<128xi32, #tpu.memory_space<vmem>>
      %dma_wait3A_147 = arith.constant 0 : i32
      %dma_wait3A_148 = tpu.memref_slice %arg9[%dma_wait3A_147] : memref<640xf32, #tpu.memory_space<vmem_shared>> -> memref<640xf32, #tpu.memory_space<vmem_shared>>
      tpu.wait_indirect_dma semaphore(%arg11 : memref<!tpu.dma_semaphore, #tpu.memory_space<semaphore_mem>>) src(%dma_wait3A_143 : memref<128xf32, #tpu.memory_space<vmem>>) dst(%dma_wait3A_148 : memref<640xf32, #tpu.memory_space<vmem_shared>>)
      %dma_wait3A_149 = arith.constant 0 : i32
      %dma_wait3A_150 = tpu.memref_slice %arg6[%add3A_68, %dma_wait3A_149] : memref<25x128xi32, #tpu.memory_space<vmem>> -> memref<1x128xi32, #tpu.memory_space<vmem>>
      %dma_wait3A_151 = tpu.memref_squeeze %dma_wait3A_150 : memref<1x128xi32, #tpu.memory_space<vmem>> -> memref<128xi32, #tpu.memory_space<vmem>>
      %dma_wait3A_152 = arith.constant 0 : i32
      %dma_wait3A_153 = tpu.memref_slice %arg10[%dma_wait3A_152] : memref<640xf32, #tpu.memory_space<vmem_shared>> -> memref<640xf32, #tpu.memory_space<vmem_shared>>
      tpu.wait_indirect_dma semaphore(%arg11 : memref<!tpu.dma_semaphore, #tpu.memory_space<semaphore_mem>>) src(%arg7 : memref<128xf32, #tpu.memory_space<vmem>>) dst(%dma_wait3A_153 : memref<640xf32, #tpu.memory_space<vmem_shared>>)
      %dma_wait3A_154 = tpu.memref_slice %arg5[%mul3A_87] : memref<3200xf32, #tpu.memory_space<vmem>> -> memref<128xf32, #tpu.memory_space<vmem>>
      %dma_wait3A_155 = arith.constant 0 : i32
      %dma_wait3A_156 = tpu.memref_slice %arg6[%add3A_85, %dma_wait3A_155] : memref<25x128xi32, #tpu.memory_space<vmem>> -> memref<1x128xi32, #tpu.memory_space<vmem>>
      %dma_wait3A_157 = tpu.memref_squeeze %dma_wait3A_156 : memref<1x128xi32, #tpu.memory_space<vmem>> -> memref<128xi32, #tpu.memory_space<vmem>>
      %dma_wait3A_158 = arith.constant 0 : i32
      %dma_wait3A_159 = tpu.memref_slice %arg9[%dma_wait3A_158] : memref<640xf32, #tpu.memory_space<vmem_shared>> -> memref<640xf32, #tpu.memory_space<vmem_shared>>
      tpu.wait_indirect_dma semaphore(%arg11 : memref<!tpu.dma_semaphore, #tpu.memory_space<semaphore_mem>>) src(%dma_wait3A_154 : memref<128xf32, #tpu.memory_space<vmem>>) dst(%dma_wait3A_159 : memref<640xf32, #tpu.memory_space<vmem_shared>>)
      %dma_wait3A_160 = arith.constant 0 : i32
      %dma_wait3A_161 = tpu.memref_slice %arg6[%add3A_85, %dma_wait3A_160] : memref<25x128xi32, #tpu.memory_space<vmem>> -> memref<1x128xi32, #tpu.memory_space<vmem>>
      %dma_wait3A_162 = tpu.memref_squeeze %dma_wait3A_161 : memref<1x128xi32, #tpu.memory_space<vmem>> -> memref<128xi32, #tpu.memory_space<vmem>>
      %dma_wait3A_163 = arith.constant 0 : i32
      %dma_wait3A_164 = tpu.memref_slice %arg10[%dma_wait3A_163] : memref<640xf32, #tpu.memory_space<vmem_shared>> -> memref<640xf32, #tpu.memory_space<vmem_shared>>
      tpu.wait_indirect_dma semaphore(%arg11 : memref<!tpu.dma_semaphore, #tpu.memory_space<semaphore_mem>>) src(%arg7 : memref<128xf32, #tpu.memory_space<vmem>>) dst(%dma_wait3A_164 : memref<640xf32, #tpu.memory_space<vmem_shared>>)
      %dma_wait3A_165 = tpu.memref_slice %arg5[%mul3A_104] : memref<3200xf32, #tpu.memory_space<vmem>> -> memref<128xf32, #tpu.memory_space<vmem>>
      %dma_wait3A_166 = arith.constant 0 : i32
      %dma_wait3A_167 = tpu.memref_slice %arg6[%add3A_102, %dma_wait3A_166] : memref<25x128xi32, #tpu.memory_space<vmem>> -> memref<1x128xi32, #tpu.memory_space<vmem>>
      %dma_wait3A_168 = tpu.memref_squeeze %dma_wait3A_167 : memref<1x128xi32, #tpu.memory_space<vmem>> -> memref<128xi32, #tpu.memory_space<vmem>>
      %dma_wait3A_169 = arith.constant 0 : i32
      %dma_wait3A_170 = tpu.memref_slice %arg9[%dma_wait3A_169] : memref<640xf32, #tpu.memory_space<vmem_shared>> -> memref<640xf32, #tpu.memory_space<vmem_shared>>
      tpu.wait_indirect_dma semaphore(%arg11 : memref<!tpu.dma_semaphore, #tpu.memory_space<semaphore_mem>>) src(%dma_wait3A_165 : memref<128xf32, #tpu.memory_space<vmem>>) dst(%dma_wait3A_170 : memref<640xf32, #tpu.memory_space<vmem_shared>>)
      %dma_wait3A_171 = arith.constant 0 : i32
      %dma_wait3A_172 = tpu.memref_slice %arg6[%add3A_102, %dma_wait3A_171] : memref<25x128xi32, #tpu.memory_space<vmem>> -> memref<1x128xi32, #tpu.memory_space<vmem>>
      %dma_wait3A_173 = tpu.memref_squeeze %dma_wait3A_172 : memref<1x128xi32, #tpu.memory_space<vmem>> -> memref<128xi32, #tpu.memory_space<vmem>>
      %dma_wait3A_174 = arith.constant 0 : i32
      %dma_wait3A_175 = tpu.memref_slice %arg10[%dma_wait3A_174] : memref<640xf32, #tpu.memory_space<vmem_shared>> -> memref<640xf32, #tpu.memory_space<vmem_shared>>
      tpu.wait_indirect_dma semaphore(%arg11 : memref<!tpu.dma_semaphore, #tpu.memory_space<semaphore_mem>>) src(%arg7 : memref<128xf32, #tpu.memory_space<vmem>>) dst(%dma_wait3A_175 : memref<640xf32, #tpu.memory_space<vmem_shared>>)
      %dma_wait3A_176 = tpu.memref_slice %arg5[%mul3A_121] : memref<3200xf32, #tpu.memory_space<vmem>> -> memref<128xf32, #tpu.memory_space<vmem>>
      %dma_wait3A_177 = arith.constant 0 : i32
      %dma_wait3A_178 = tpu.memref_slice %arg6[%add3A_119, %dma_wait3A_177] : memref<25x128xi32, #tpu.memory_space<vmem>> -> memref<1x128xi32, #tpu.memory_space<vmem>>
      %dma_wait3A_179 = tpu.memref_squeeze %dma_wait3A_178 : memref<1x128xi32, #tpu.memory_space<vmem>> -> memref<128xi32, #tpu.memory_space<vmem>>
      %dma_wait3A_180 = arith.constant 0 : i32
      %dma_wait3A_181 = tpu.memref_slice %arg9[%dma_wait3A_180] : memref<640xf32, #tpu.memory_space<vmem_shared>> -> memref<640xf32, #tpu.memory_space<vmem_shared>>
      tpu.wait_indirect_dma semaphore(%arg11 : memref<!tpu.dma_semaphore, #tpu.memory_space<semaphore_mem>>) src(%dma_wait3A_176 : memref<128xf32, #tpu.memory_space<vmem>>) dst(%dma_wait3A_181 : memref<640xf32, #tpu.memory_space<vmem_shared>>)
      %dma_wait3A_182 = arith.constant 0 : i32
      %dma_wait3A_183 = tpu.memref_slice %arg6[%add3A_119, %dma_wait3A_182] : memref<25x128xi32, #tpu.memory_space<vmem>> -> memref<1x128xi32, #tpu.memory_space<vmem>>
      %dma_wait3A_184 = tpu.memref_squeeze %dma_wait3A_183 : memref<1x128xi32, #tpu.memory_space<vmem>> -> memref<128xi32, #tpu.memory_space<vmem>>
      %dma_wait3A_185 = arith.constant 0 : i32
      %dma_wait3A_186 = tpu.memref_slice %arg10[%dma_wait3A_185] : memref<640xf32, #tpu.memory_space<vmem_shared>> -> memref<640xf32, #tpu.memory_space<vmem_shared>>
      tpu.wait_indirect_dma semaphore(%arg11 : memref<!tpu.dma_semaphore, #tpu.memory_space<semaphore_mem>>) src(%arg7 : memref<128xf32, #tpu.memory_space<vmem>>) dst(%dma_wait3A_186 : memref<640xf32, #tpu.memory_space<vmem_shared>>)
    }
    %scan3A_41 = arith.constant 5 : i32
    %barrier3A_42 = arith.constant 0 : index
    tpu.barrier barrier_id(%barrier3A_42)
    %eq3A_43 = arith.constant 0 : i32
    %eq3A_44 = arith.cmpi eq, %arg1, %eq3A_43 : i32
    %convert_element_type3A_45 = arith.extui %eq3A_44 : i1 to i32
    %cond3A_46 = arith.constant 0 : i32
    %cond3A_47 = arith.cmpi ne, %convert_element_type3A_45, %cond3A_46 : i32
    scf.if %cond3A_47 {
      %run_scoped3A = arith.constant 0 : i32
      "tpu.region"() ({
        %run_scoped3A_49 = tpu.sem_alloc : memref<!tpu.dma_semaphore, #tpu.memory_space<semaphore_mem>>
        %dma_start3A = arith.constant 0 : i32
        %dma_start3A_50 = tpu.memref_slice %arg4[%arg0, %run_scoped3A, %dma_start3A] : memref<2x2x640xf32, #tpu.memory_space<hbm>> -> memref<1x1x640xf32, #tpu.memory_space<hbm>>
        %dma_start3A_51 = tpu.memref_squeeze %dma_start3A_50 : memref<1x1x640xf32, #tpu.memory_space<hbm>> -> memref<640xf32, #tpu.memory_space<hbm>>
        tpu.enqueue_dma source(%arg9 : memref<640xf32, #tpu.memory_space<vmem_shared>>) target(%dma_start3A_51 : memref<640xf32, #tpu.memory_space<hbm>>) target_semaphore(%run_scoped3A_49 : memref<!tpu.dma_semaphore, #tpu.memory_space<semaphore_mem>>)
        %dma_wait3A = arith.constant 0 : i32
        %dma_wait3A_52 = tpu.memref_slice %arg4[%arg0, %run_scoped3A, %dma_wait3A] : memref<2x2x640xf32, #tpu.memory_space<hbm>> -> memref<1x1x640xf32, #tpu.memory_space<hbm>>
        %dma_wait3A_53 = tpu.memref_squeeze %dma_wait3A_52 : memref<1x1x640xf32, #tpu.memory_space<hbm>> -> memref<640xf32, #tpu.memory_space<hbm>>
        tpu.wait_dma2 semaphore(%run_scoped3A_49 : memref<!tpu.dma_semaphore, #tpu.memory_space<semaphore_mem>>) src(%arg9 : memref<640xf32, #tpu.memory_space<vmem_shared>>) dst(%dma_wait3A_53 : memref<640xf32, #tpu.memory_space<hbm>>)
        tpu.yield
      }) : () -> ()
      %run_scoped3A_48 = arith.constant 1 : i32
      "tpu.region"() ({
        %run_scoped3A_49 = tpu.sem_alloc : memref<!tpu.dma_semaphore, #tpu.memory_space<semaphore_mem>>
        %dma_start3A = arith.constant 0 : i32
        %dma_start3A_50 = tpu.memref_slice %arg4[%arg0, %run_scoped3A_48, %dma_start3A] : memref<2x2x640xf32, #tpu.memory_space<hbm>> -> memref<1x1x640xf32, #tpu.memory_space<hbm>>
        %dma_start3A_51 = tpu.memref_squeeze %dma_start3A_50 : memref<1x1x640xf32, #tpu.memory_space<hbm>> -> memref<640xf32, #tpu.memory_space<hbm>>
        tpu.enqueue_dma source(%arg10 : memref<640xf32, #tpu.memory_space<vmem_shared>>) target(%dma_start3A_51 : memref<640xf32, #tpu.memory_space<hbm>>) target_semaphore(%run_scoped3A_49 : memref<!tpu.dma_semaphore, #tpu.memory_space<semaphore_mem>>)
        %dma_wait3A = arith.constant 0 : i32
        %dma_wait3A_52 = tpu.memref_slice %arg4[%arg0, %run_scoped3A_48, %dma_wait3A] : memref<2x2x640xf32, #tpu.memory_space<hbm>> -> memref<1x1x640xf32, #tpu.memory_space<hbm>>
        %dma_wait3A_53 = tpu.memref_squeeze %dma_wait3A_52 : memref<1x1x640xf32, #tpu.memory_space<hbm>> -> memref<640xf32, #tpu.memory_space<hbm>>
        tpu.wait_dma2 semaphore(%run_scoped3A_49 : memref<!tpu.dma_semaphore, #tpu.memory_space<semaphore_mem>>) src(%arg10 : memref<640xf32, #tpu.memory_space<vmem_shared>>) dst(%dma_wait3A_53 : memref<640xf32, #tpu.memory_space<hbm>>)
        tpu.yield
      }) : () -> ()
    } else {
    }
    return
  }
}

module attributes {stable_mosaic.version = 14 : i64} {
  func.func @_mlp_body(%arg0: i32, %arg1: memref<25600x128xf32, #tpu.memory_space<vmem>>, %arg2: memref<128x64xf32, #tpu.memory_space<vmem>>, %arg3: memref<1x64xf32, #tpu.memory_space<vmem>>, %arg4: memref<1x64xf32, #tpu.memory_space<vmem>>, %arg5: memref<1x1xf32, #tpu.memory_space<vmem>>, %arg6: memref<25600xf32, #tpu.memory_space<vmem>>) attributes {dimension_semantics = [#tpu.dimension_semantics<arbitrary>], iteration_bounds = array<i64: 4>, scalar_prefetch = 0 : i64, scratch_operands = 0 : i64, tpu.core_type = #tpu.core_type<tc>, window_params = [{transform_indices = @transform_0, window_bounds = array<i64: 25600, 128>}, {pipeline_mode = #tpu.pipeline_mode<synchronous>, transform_indices = @transform_1, window_bounds = array<i64: 128, 64>}, {pipeline_mode = #tpu.pipeline_mode<synchronous>, transform_indices = @transform_2, window_bounds = array<i64: 1, 64>}, {pipeline_mode = #tpu.pipeline_mode<synchronous>, transform_indices = @transform_3, window_bounds = array<i64: 1, 64>}, {pipeline_mode = #tpu.pipeline_mode<synchronous>, transform_indices = @transform_4, window_bounds = array<i64: 1, 1>}, {transform_indices = @transform_5, window_bounds = array<i64: 25600>}]} {
    %get3A = arith.constant 0 : index
    %get3A_0 = arith.constant 0 : index
    %get3A_1 = vector.load %arg1[%get3A, %get3A_0] : memref<25600x128xf32, #tpu.memory_space<vmem>>, vector<25600x128xf32>
    %get3A_2 = arith.constant 0 : index
    %get3A_3 = arith.constant 0 : index
    %get3A_4 = vector.load %arg2[%get3A_2, %get3A_3] : memref<128x64xf32, #tpu.memory_space<vmem>>, vector<128x64xf32>
    %dot_general3A = arith.constant dense<0.000000e+00> : vector<25600x64xf32>
    %dot_general3A_5 = tpu.matmul %get3A_1, %get3A_4, %dot_general3A {dimension_numbers = #tpu.dot_dimension_numbers<[1], [0], [0], [1], [0, 0, 1, 1], [], []>, transpose_lhs_hint = false} : vector<25600x128xf32>, vector<128x64xf32>, vector<25600x64xf32> -> vector<25600x64xf32>
    %get3A_6 = arith.constant 0 : index
    %get3A_7 = arith.constant 0 : index
    %get3A_8 = vector.load %arg3[%get3A_6, %get3A_7] : memref<1x64xf32, #tpu.memory_space<vmem>>, vector<1x64xf32>
    %add3A = vector.broadcast %get3A_8 : vector<1x64xf32> to vector<25600x64xf32>
    %add3A_9 = arith.addf %dot_general3A_5, %add3A : vector<25600x64xf32>
    %neg3A = arith.constant 0.000000e+00 : f32
    %neg3A_10 = vector.broadcast %neg3A : f32 to vector<25600x64xf32>
    %neg3A_11 = arith.subf %neg3A_10, %add3A_9 : vector<25600x64xf32>
    %exp3A = math.exp %neg3A_11 : vector<25600x64xf32>
    %add3A_12 = arith.constant 1.000000e+00 : f32
    %add3A_13 = vector.broadcast %add3A_12 : f32 to vector<25600x64xf32>
    %add3A_14 = arith.addf %add3A_13, %exp3A : vector<25600x64xf32>
    %div3A = arith.constant 1.000000e+00 : f32
    %div3A_15 = vector.broadcast %div3A : f32 to vector<25600x64xf32>
    %div3A_16 = arith.divf %div3A_15, %add3A_14 : vector<25600x64xf32>
    %mul3A = arith.mulf %add3A_9, %div3A_16 : vector<25600x64xf32>
    %get3A_17 = arith.constant 0 : index
    %get3A_18 = arith.constant 0 : index
    %get3A_19 = vector.load %arg4[%get3A_17, %get3A_18] : memref<1x64xf32, #tpu.memory_space<vmem>>, vector<1x64xf32>
    %dot_general3A_20 = arith.constant dense<0.000000e+00> : vector<1x25600xf32>
    %dot_general3A_21 = tpu.matmul %get3A_19, %mul3A, %dot_general3A_20 {dimension_numbers = #tpu.dot_dimension_numbers<[1], [1], [0], [0], [0, 0, 1, 0], [], []>, transpose_lhs_hint = false} : vector<1x64xf32>, vector<25600x64xf32>, vector<1x25600xf32> -> vector<1x25600xf32>
    %get3A_22 = arith.constant 0 : index
    %get3A_23 = arith.constant 0 : index
    %get3A_24 = vector.load %arg5[%get3A_22, %get3A_23] : memref<1x1xf32, #tpu.memory_space<vmem>>, vector<1x1xf32>
    %get3A_25 = vector.extract %get3A_24[0, 0] : f32 from vector<1x1xf32>
    %add3A_26 = vector.broadcast %get3A_25 : f32 to vector<1x25600xf32>
    %add3A_27 = arith.addf %dot_general3A_21, %add3A_26 : vector<1x25600xf32>
    %reshape3A = vector.shape_cast %add3A_27 : vector<1x25600xf32> to vector<25600xf32>
    %swap3A = arith.constant 0 : index
    %swap3A_28 = vector.load %arg6[%swap3A] : memref<25600xf32, #tpu.memory_space<vmem>>, vector<25600xf32>
    tpu.vector_store %arg6[%swap3A], %reshape3A {strides = array<i32>} : memref<25600xf32, #tpu.memory_space<vmem>>, vector<25600xf32>,
    return
  }
  func.func @transform_0(%arg0: i32) -> (i32, i32) {
    %c0_i32 = arith.constant 0 : i32
    %c0_i32_0 = arith.constant 0 : i32
    return %arg0, %c0_i32 : i32, i32
  }
  func.func @transform_1(%arg0: i32) -> (i32, i32) {
    %c0_i32 = arith.constant 0 : i32
    %c0_i32_0 = arith.constant 0 : i32
    %c0_i32_1 = arith.constant 0 : i32
    return %c0_i32, %c0_i32_0 : i32, i32
  }
  func.func @transform_2(%arg0: i32) -> (i32, i32) {
    %c0_i32 = arith.constant 0 : i32
    %c0_i32_0 = arith.constant 0 : i32
    %c0_i32_1 = arith.constant 0 : i32
    return %c0_i32, %c0_i32_0 : i32, i32
  }
  func.func @transform_3(%arg0: i32) -> (i32, i32) {
    %c0_i32 = arith.constant 0 : i32
    %c0_i32_0 = arith.constant 0 : i32
    %c0_i32_1 = arith.constant 0 : i32
    return %c0_i32, %c0_i32_0 : i32, i32
  }
  func.func @transform_4(%arg0: i32) -> (i32, i32) {
    %c0_i32 = arith.constant 0 : i32
    %c0_i32_0 = arith.constant 0 : i32
    %c0_i32_1 = arith.constant 0 : i32
    return %c0_i32, %c0_i32_0 : i32, i32
  }
  func.func @transform_5(%arg0: i32) -> i32 {
    %c0_i32 = arith.constant 0 : i32
    return %arg0 : i32
  }
}

module attributes {stable_mosaic.version = 14 : i64} {
  func.func @_combine_body(%arg0: memref<2x2x640xf32, #tpu.memory_space<vmem>>, %arg1: memref<1x512xf32, #tpu.memory_space<vmem>>) attributes {dimension_semantics = [], scalar_prefetch = 0 : i64, scratch_operands = 0 : i64, tpu.core_type = #tpu.core_type<tc>} {
    %get3A = arith.constant 0 : index
    %get3A_0 = arith.constant 0 : index
    %get3A_1 = arith.constant 0 : index
    %get3A_2 = vector.load %arg0[%get3A, %get3A_0, %get3A_1] : memref<2x2x640xf32, #tpu.memory_space<vmem>>, vector<2x2x640xf32>
    %slice3A = vector.extract_strided_slice %get3A_2 {offsets = [0, 0, 0], sizes = [1, 1, 512], strides = [1, 1, 1]} : vector<2x2x640xf32> to vector<1x1x512xf32>
    %squeeze3A = vector.shape_cast %slice3A : vector<1x1x512xf32> to vector<512xf32>
    %slice3A_3 = vector.extract_strided_slice %get3A_2 {offsets = [1, 0, 0], sizes = [1, 1, 512], strides = [1, 1, 1]} : vector<2x2x640xf32> to vector<1x1x512xf32>
    %squeeze3A_4 = vector.shape_cast %slice3A_3 : vector<1x1x512xf32> to vector<512xf32>
    %add3A = arith.addf %squeeze3A, %squeeze3A_4 : vector<512xf32>
    %slice3A_5 = vector.extract_strided_slice %get3A_2 {offsets = [0, 1, 0], sizes = [1, 1, 512], strides = [1, 1, 1]} : vector<2x2x640xf32> to vector<1x1x512xf32>
    %squeeze3A_6 = vector.shape_cast %slice3A_5 : vector<1x1x512xf32> to vector<512xf32>
    %slice3A_7 = vector.extract_strided_slice %get3A_2 {offsets = [1, 1, 0], sizes = [1, 1, 512], strides = [1, 1, 1]} : vector<2x2x640xf32> to vector<1x1x512xf32>
    %squeeze3A_8 = vector.shape_cast %slice3A_7 : vector<1x1x512xf32> to vector<512xf32>
    %add3A_9 = arith.addf %squeeze3A_6, %squeeze3A_8 : vector<512xf32>
    %max3A = arith.constant 1.000000e+00 : f32
    %max3A_10 = vector.broadcast %max3A : f32 to vector<512xf32>
    %max3A_11 = arith.maximumf %add3A_9, %max3A_10 : vector<512xf32>
    %div3A = arith.divf %add3A, %max3A_11 : vector<512xf32>
    %reshape3A = vector.shape_cast %div3A : vector<512xf32> to vector<1x512xf32>
    %swap3A = arith.constant 0 : index
    %swap3A_12 = arith.constant 0 : index
    %swap3A_13 = vector.load %arg1[%swap3A, %swap3A_12] : memref<1x512xf32, #tpu.memory_space<vmem>>, vector<1x512xf32>
    tpu.vector_store %arg1[%swap3A, %swap3A_12], %reshape3A {strides = array<i32>} : memref<1x512xf32, #tpu.memory_space<vmem>>, vector<1x512xf32>,
    return
  }
}

</mosaic_0001>

<sc_bundles>
// kernel: kernel.5.cloned.1.call-start
scs
__scs_entry_jumppad:
0x0: {  	(pc) =	sbr.rel $0x88, $3  }
0x1: {  	(tag) =	ssettag $0x0;
	lr =	simm.s32 $0x1  }
0x2: {  	[smem:$0x3F9B] =	sst lr;
	_ =	strace $0xD0000000  }
0x3: {  	_ = 	snop  }
0x4: {  	_ = 	snop  }
0x5: {  	_ = 	snop  }
0x6: {  	_ = 	snop  }
0x7: {  	_ = 	snop  }
__scs_overlays_trampoline_lowered:
0x8: {  	[smem:$0x3FAA] =	sst s0  }
0x9: {  	[smem:$0x3FAB] =	sst s1  }
0xa: {  	[smem:$0x3FAC] =	sst s2  }
0xb: {  	[smem:$0x3FAD] =	sst s3  }
0xc: {  	[smem:$0x3FAE] =	sst s4  }
0xd: {  	[smem:$0x3FAF] =	sst s5  }
0xe: {  	[smem:$0x3FB0] =	sst s6  }
0xf: {  	[smem:$0x3FB1] =	sst s7  }
0x10: {  	[smem:$0x3FB2] =	sst s8  }
0x11: {  	[smem:$0x3FB3] =	sst s9;
	s0 =	simm.s32 @!p0 $0x0  }
0x12: {  	s1 =	sld [smem:$0x3F99];
	s0 =	simm.s32 @p0 $0x1  }
0x13: {  	[smem:$0x3FB4] =	sst s0;
	s0 =	simm.s32 @!p1 $0x0  }
0x14: {  	s2 =	sld [smem:$0x3F98];
	s0 =	simm.s32 @p1 $0x1  }
0x15: {  	[smem:$0x3FB5] =	sst s0;
	s0 =	simm.s32 @!p2 $0x0  }
0x16: {  	s3 =	sld [smem:$0x3FDB];
	s0 =	simm.s32 @p2 $0x1  }
0x17: {  	s4 =	simm.s32 $0x1BF5;
	[smem:$0x3FB7] =	sst s0  }
0x18: {  	s0 =	sld [smem:$0x3F9A];
	_ =	swait.ge [sflag:s4], $0x0  }
0x19: {  	s7 =	sld [smem:$0x3F9B]  }
0x1a: {  	s8 =	sadd.s32 $0xFFFFE003, lr  }
0x1b: {  	s9 =	sadd.s32 $0xFFFFFEF7, lr;
	s5 =	simm.s32 $0xFFFFFFFF;
	p2 =	slt.u32 s8, $0xFFFFF086  }
0x1c: {  	p1 =	slt.u32 s9, $0xF7A;
	s5 =	simm.s32 @!p2 $0x0  }
0x1d: {  	s5 =	simm.s32 @p1 $0x1;
	p0 =	seq.s32 s7, s2  }
0x1e: {  	s7 =	smul.u32 @!p0 $0xF7A, s2;
	p2 =	seq.s32 @!p0 s5, $0x0  }
0x1f: {  	s9 =	smul.u32 $0xF7A, s1;
	s8 =	simm.s32 @!p0 $0x1BF5;
	p2 =	por !p2, p0  }
0x20: {  	[sflag:s8] =	ssyncset.s32 @!p0 $0xFFFFF086;
	s6 =	sadd.s32 @!p0 s3, s7;
	s7 =	simm.s32 @!p0 $0x108  }
0x21: {  	s3 =	sadd.s32 s3, s9;
	s6 =	sadd.s32 @!p0 $0x88, s6;
	s7 =	simm.s32 @p2 $0x1082  }
0x22: {  	[simem:s7], [sflag:s8] =	dma.local @!p0 [hbm:s6], $0xF7A  }
0x23: {  	s9 =	sor.u32 $0xD0000000, s2;
	s6 =	simm.s32 $0x108;
	_ =	swait.ge @!p0 [sflag:s8], $0x0  }
0x24: {  	s3 =	sadd.s32 $0x88, s3;
	s6 =	simm.s32 @!p1 $0x1082;
	[sflag:s4] =	ssyncset.s32 $0xFFFFF086  }
0x25: {  	[simem:s6], [sflag:s4] =	dma.local [hbm:s3], $0xF7A  }
0x26: {  	[smem:$0x3F9B] =	sst s1;
	(tag) =	ssettag s2;
	_ =	strace s9  }
0x27: {  	s1 =	sld [smem:$0x3FAB]  }
0x28: {  	s2 =	sld [smem:$0x3FAC]  }
0x29: {  	s4 =	sld [smem:$0x3FAE]  }
0x2a: {  	p0 =	seq.s32 s5, $0x0;
	s5 =	sld [smem:$0x3FAF]  }
0x2b: {  	s6 =	sld [smem:$0x3FB0]  }
0x2c: {  	s7 =	sld [smem:$0x3FB1]  }
0x2d: {  	s3 =	simm.s32 $0x108;
	s8 =	sld [smem:$0x3FB2]  }
0x2e: {  	s3 =	simm.s32 @!p0 $0x1082;
	s9 =	sld [smem:$0x3FB3]  }
0x2f: {  	lr =	sadd.s32 s0, s3;
	s0 =	sld [smem:$0x3FAA]  }
0x30: {  	s3 =	sld [smem:$0x3FAD]  }
0x31: {  	[smem:$0x3FB6] =	sst s10  }
0x32: {  	s10 =	sld [smem:$0x3FB4];
	_ =	sdelay $0x3  }
0x33: {  	p0 =	seq.s32 s10, $0x1;
	s10 =	sld [smem:$0x3FB6];
	_ =	sdelay $0x3  }
0x34: {  	[smem:$0x3FB6] =	sst s10  }
0x35: {  	s10 =	sld [smem:$0x3FB5];
	_ =	sdelay $0x3  }
0x36: {  	p1 =	seq.s32 s10, $0x1;
	s10 =	sld [smem:$0x3FB6];
	_ =	sdelay $0x3  }
0x37: {  	[smem:$0x3FB6] =	sst s10  }
0x38: {  	s10 =	sld [smem:$0x3FB7]  }
0x39: {  	_ = 	snop;
	(pc) =	sbr.ind lr, $3  }
0x3a: {  	_ = 	snop  }
0x3b: {  	_ = 	snop  }
0x3c: {  	p2 =	seq.s32 s10, $0x1;
	s10 =	sld [smem:$0x3FB6]  }
0x3d: {  	_ =	shalt  }
0x3e: {  	_ =	shalt  }
0x3f: {  	_ =	shalt  }
0x40: {  	_ =	shalt  }
0x41: {  	_ =	shalt  }
0x42: {  	_ =	shalt  }
0x43: {  	_ =	shalt  }
0x44: {  	_ =	shalt  }
0x45: {  	_ =	shalt  }
0x46: {  	_ =	shalt  }
0x47: {  	_ =	shalt  }
0x48: {  	_ =	shalt  }
0x49: {  	_ =	shalt  }
0x4a: {  	_ =	shalt  }
0x4b: {  	_ =	shalt  }
0x4c: {  	_ =	shalt  }
0x4d: {  	_ =	shalt  }
0x4e: {  	_ =	shalt  }
0x4f: {  	_ =	shalt  }
0x50: {  	_ =	shalt  }
0x51: {  	_ =	shalt  }
0x52: {  	_ =	shalt  }
0x53: {  	_ =	shalt  }
0x54: {  	_ =	shalt  }
0x55: {  	_ =	shalt  }
0x56: {  	_ =	shalt  }
0x57: {  	_ =	shalt  }
0x58: {  	_ =	shalt  }
0x59: {  	_ =	shalt  }
0x5a: {  	_ =	shalt  }
0x5b: {  	_ =	shalt  }
0x5c: {  	_ =	shalt  }
0x5d: {  	_ =	shalt  }
0x5e: {  	_ =	shalt  }
0x5f: {  	_ =	shalt  }
0x60: {  	_ =	shalt  }
0x61: {  	_ =	shalt  }
0x62: {  	_ =	shalt  }
0x63: {  	_ =	shalt  }
0x64: {  	_ =	shalt  }
0x65: {  	_ =	shalt  }
0x66: {  	_ =	shalt  }
0x67: {  	_ =	shalt  }
0x68: {  	_ =	shalt  }
0x69: {  	_ =	shalt  }
0x6a: {  	_ =	shalt  }
0x6b: {  	_ =	shalt  }
0x6c: {  	_ =	shalt  }
0x6d: {  	_ =	shalt  }
0x6e: {  	_ =	shalt  }
0x6f: {  	_ =	shalt  }
0x70: {  	_ =	shalt  }
0x71: {  	_ =	shalt  }
0x72: {  	_ =	shalt  }
0x73: {  	_ =	shalt  }
0x74: {  	_ =	shalt  }
0x75: {  	_ =	shalt  }
0x76: {  	_ =	shalt  }
0x77: {  	_ =	shalt  }
0x78: {  	_ =	shalt  }
0x79: {  	_ =	shalt  }
0x7a: {  	_ =	shalt  }
0x7b: {  	_ =	shalt  }
0x7c: {  	_ =	shalt  }
0x7d: {  	_ =	shalt  }
0x7e: {  	_ =	shalt  }
0x7f: {  	_ =	shalt  }
0x80: {  	_ =	shalt  }
0x81: {  	_ =	shalt  }
0x82: {  	_ =	shalt  }
0x83: {  	_ =	shalt  }
0x84: {  	_ =	shalt  }
0x85: {  	_ =	shalt  }
0x86: {  	_ =	shalt  }
0x87: {  	_ =	shalt  }
.Lfunc_end0:
.L_simem_size_0:
called_computation_lowered:
.L_overlay_start_0:
0x88: {  	s2 =	sld [smem:$0x3FD9]  }
0x89: {  	s3 =	sld [smem:$0x3FFE];
	_ =	sdelay $0x1  }
0x8a: {  	s1 =	srdreg.scid  }
0x8b: {  	s0 =	sand.u32 $0x1, s1  }
0x8c: {  	s16 =	sshll.u32 s0, $0xA;
	s2 =	sadd.s32 s3, s2  }
0x8d: {  	s2 =	sadd.s32 s2, s16  }
0x8e: {  	[smem:$0x3FC2] =	sst s2  }
0x8f: {  	_ = 	snop  }
0x90: {  	(tm) =	ssettm $0x1  }
0x91: {  	s17 =	sld [smem:$0x3FFB];
	_ =	sdelay $0x3  }
0x92: {  	_ =	strace s17  }
0x93: {  	s2 =	sld [smem:$0x3FFC];
	_ =	sdelay $0x3  }
0x94: {  	_ =	strace s2  }
0x95: {  	s2 =	sld [smem:$0x3FFD];
	_ =	sdelay $0x3  }
0x96: {  	_ =	strace s2  }
0x97: {  	_ =	strace $0x8FFFFFFF  }
0x98: {  	s18 =	sld [smem:$0x3FDB];
	_ =	sdelay $0x1  }
0x99: {  	s19 =	simm.s32 $_scs_section_size  }
0x9a: {  	s4 =	simm.s32 $_size__tile_overlayer_lowered;
	s5 =	simm.s32 $_tile_overlayer_lowered  }
0x9b: {  	s22 =	simm.s32 $0x1BFF;
	s21 =	sshll.u32 s5, $0x1;
	s2 =	sadd.s32 s19, s18  }
0x9c: {  	s6 =	simm.s32 $0x0;
	s20 =	sshll.u32 s4, $0x1;
	s4 =	sadd.s32 s21, s2  }
0x9d: {  	[timem:s6], [sflag:s22] =	dma.local [hbm:s4], s20  }
0x9e: {  	_ =	swait.ge [sflag:s22], s20  }
0x9f: {  	s3 =	ssub.s32 $0x0, s20;
	[sflag:s22] =	ssyncset.done $0x0  }
0xa0: {  	[sflag:s22] =	ssyncadd.s32 s3;
	_ =	sdelay $0x1  }
0xa1: {  	s23 =	simm.s32 $0x1B8B  }
0xa2: {  	_ =	swait.ge [sflag:s23], $0x1  }
0xa3: {  	[sflag:s23] =	ssyncset.done $0x0  }
0xa4: {  	s25 =	simm.s32 $0x1B8E;
	s24 =	sld [smem:$0x3FFE];
	[sflag:s23] =	ssyncadd.s32 $0xFFFFFFFF  }
0xa5: {  	s26 =	simm.s32 $execute0_lowered;
	[smem:$0x3FD2] =	sst s25  }
0xa6: {  	s4 =	sshll.u32 s26, $0x1;
	_ =	strace $0x80000046;
	[dreg:$0x1] =	wrdreg $0xFFFFFFFF  }
0xa7: {  	s28 =	simm.s32 $_size_execute0_lowered;
	s2 =	sadd.s32 s2, s4;
	[dreg:$0x0] =	wrdreg $0x0  }
0xa8: {  	s4 =	sshll.u32 s28, $0x1;
	[dreg:$0x2] =	wrdreg s2  }
0xa9: {  	[dreg:$0x3] =	wrdreg s4  }
0xaa: {  	[dreg:$0x4] =	wrdreg $0xC0  }
0xab: {  	_ =	task [dreg:s6], $0x5FFFF  }
0xac: {  	[dreg:$0x1] =	wrdreg $0xFFFFFFFF  }
0xad: {  	[dreg:$0x0] =	wrdreg $0x60  }
0xae: {  	[dreg:$0x2] =	wrdreg s24  }
0xaf: {  	[dreg:$0x3] =	wrdreg $0x1F800  }
0xb0: {  	[dreg:$0x4] =	wrdreg $0x1FA80  }
0xb1: {  	[dreg:$0x5] =	wrdreg $0x9  }
0xb2: {  	_ =	task.clear_ibuf [dreg:s6], $0x6FFFF;
	_ =	strace $0x90000046  }
0xb3: {  	s29 =	simm.s32 $0x9;
	_ =	strace $0x80000048  }
0xb4: {  	_ =	swait.ge [sflag:s29], $0x1  }
0xb5: {  	[sflag:s29] =	ssyncadd.s32 $0xFFFFFFFF  }
0xb6: {  	_ =	strace $0x90000048  }
0xb7: {  	_ =	sfence  }
0xb8: {  	s30 =	sld [smem:$0x0];
	_ =	sdelay $0x2  }
0xb9: {  	s31 =	sshll.u32 s1, $0xD;
	s1 =	sshrl.u32 s1, $0x2  }
0xba: {  	s3 =	sand.u32 $0x4000, s31;
	s1 =	sadd.s32 s1, s30  }
0xbb: {  	s0 =	sor.u32 s3, s0;
	s1 =	sshll.u32 s1, $0x11  }
0xbc: {  	s0 =	sor.u32 s1, s0  }
0xbd: {  	s0 =	sadd.s32 $0x8F2B, s0  }
0xbe: {  	[sflag:s0] =	ssyncadd.remote.s32 $0x1  }
0xbf: {  	_ =	sfence.sel $0xFFFF  }
0xc0: {  	[dreg:$0x0] =	wrdreg $0xFFFFFFFF;
	(pc) =	sbr.abs _section_cstart, $3  }
0xc1: {  	[dreg:$0x1] =	wrdreg $0xFFFFFFFF  }
0xc2: {  	_ =	task.clear_ibuf [dreg:s6], $0x2FFFF;
	_ =	strace $0x9FFFFFFF  }
0xc3: {  	(tm) =	ssettm $0x7FFFFFFF  }
tec
execute0_lowered:
.L_overlay_start_1:
0x0: {  	(tag) =	ssettag $0x1  }
0x1: {  	s0 =	rddreg [dreg:$0x0]  }
0x2: {  	s2 =	srdreg.scid;
	s5 =	stileid.u32  }
0x3: {  	s1 =	rddreg [dreg:$0x1];
	s4 =	sand.u32 $0x1, s2;
	s3 =	sshll.u32 s5, $0x1  }
0x4: {  	s2 =	rddreg [dreg:$0x2];
	s6 =	sor.u32 s4, s3;
	s3 =	simm.s32 $0x0  }
0x5: {  	s24 =	simm.s32 $0x100;
	s26 =	simm.s32 $0x180;
	[smem:$0x7FF] =	sst s3  }
0x6: {  	s9 =	simm.s32 $0x380;
	_ =	strace $0x80000047;
	[dreg:$0x8] =	wrdreg s24  }
0x7: {  	s10 =	simm.s32 $0x400;
	s11 =	simm.s32 $0x480;
	[dreg:$0x9] =	wrdreg s26  }
0x8: {  	s12 =	simm.s32 $0x500;
	s13 =	simm.s32 $0x580;
	[dreg:$0xd] =	wrdreg s9  }
0x9: {  	s14 =	simm.s32 $0x600;
	s15 =	simm.s32 $0x680;
	[dreg:$0xe] =	wrdreg s10  }
0xa: {  	s16 =	simm.s32 $0x700;
	s17 =	simm.s32 $0x780;
	[dreg:$0xf] =	wrdreg s11  }
0xb: {  	s18 =	simm.s32 $0x800;
	s19 =	simm.s32 $0x880;
	[dreg:$0x10] =	wrdreg s12  }
0xc: {  	s20 =	simm.s32 $0x900;
	s21 =	simm.s32 $0x980;
	[dreg:$0x11] =	wrdreg s13  }
0xd: {  	s22 =	simm.s32 $0xA00;
	s28 =	simm.s32 $0x1580;
	[dreg:$0x12] =	wrdreg s14  }
0xe: {  	s29 =	simm.s32 $0x1600;
	s30 =	simm.s32 $0x1680;
	[dreg:$0x13] =	wrdreg s15  }
0xf: {  	s31 =	simm.s32 $0x1700;
	p0 =	sne.s32 s5, $0x0;
	[dreg:$0x14] =	wrdreg s16  }
0x10: {  	s5 =	simm.s32 $0x2;
	s8 =	smul.u32 $0xA0, s4;
	[dreg:$0x15] =	wrdreg s17  }
0x11: {  	s4 =	ssub.s32 $0x2, s4;
	s7 =	smul.u32 $0x190, s6;
	[dreg:$0x16] =	wrdreg s18  }
0x12: {  	s6 =	sshll.u32 s6, $0x9;
	s25 =	sshrl.u32 s4, $0x1;
	[dreg:$0x17] =	wrdreg s19  }
0x13: {  	s6 =	sadd.s32 s6, s0;
	s4 =	ssub.s32 s4, s25;
	[dreg:$0x18] =	wrdreg s20  }
0x14: {  	s13 =	simm.s32 $0x1;
	[dreg:$0x19] =	wrdreg s21;
	s19 =	simm.s32 $0x1180  }
0x15: {  	[dreg:$0x1a] =	wrdreg s22;
	s20 =	simm.s32 $0x1200;
	s24 =	simm.s32 $0xB00  }
0x16: {  	s21 =	simm.s32 $0x1280;
	s25 =	simm.s32 $0xB80;
	s22 =	simm.s32 $0x1300  }
0x17: {  	s26 =	simm.s32 $0xC00;
	s9 =	simm.s32 $0x1800;
	[dreg:$0x1c] =	wrdreg s24  }
0x18: {  	s10 =	simm.s32 $0x1880;
	s7 =	sadd.s32 s7, s0;
	[dreg:$0x1d] =	wrdreg s25  }
0x19: {  	s0 =	sadd.s32 s8, s0;
	s6 =	sadd.s32 $0xC00, s6;
	[dreg:$0x1e] =	wrdreg s26  }
0x1a: {  	s4 =	smax.u32 s4, $0x1;
	s8 =	simm.s32 $0x300;
	[dreg:$0x5] =	wrdreg s6  }
0x1b: {  	s24 =	simm.s32 $0x1400;
	s7 =	sadd.s32 $0x4C00, s7;
	[dreg:$0xc] =	wrdreg s8  }
0x1c: {  	s25 =	simm.s32 $0x1480;
	s23 =	sadd.s32 $0x7E00, s0;
	[dreg:$0x4] =	wrdreg s7  }
0x1d: {  	s26 =	simm.s32 $0x1500;
	s0 =	sadd.s32 $0x7E10, s0;
	[dreg:$0x6] =	wrdreg s23  }
0x1e: {  	s6 =	simm.s32 $0x200;
	s8 =	simm.s32 $0x1C80;
	[dreg:$0x7] =	wrdreg s0  }
0x1f: {  	[dreg:$0xa] =	wrdreg s6;
	s7 =	simm.s32 $0x280;
	s6 =	simm.s32 $0xC80  }
0x20: {  	s23 =	simm.s32 $0xA80;
	s0 =	simm.s32 $0x1780;
	[dreg:$0xb] =	wrdreg s7  }
0x21: {  	v0 =	vimm.f32 $1.000000000e+00;
	s7 =	simm.s32 $0x80;
	[dreg:$0x1b] =	wrdreg s23;
	s23 =	simm.s32 $0x1380  }
.LBB2_1:
0x22: {  	[tilespmem:$0x1C80] =	vst v0  }
0x23: {  	[tilespmem:$0x1C90] =	vst v0  }
0x24: {  	[tilespmem:$0x1CA0] =	vst v0  }
0x25: {  	[tilespmem:$0x1CB0] =	vst v0  }
0x26: {  	[tilespmem:$0x1CC0] =	vst v0  }
0x27: {  	[tilespmem:$0x1CD0] =	vst v0  }
0x28: {  	[tilespmem:$0x1CE0] =	vst v0  }
0x29: {  	[tilespmem:$0x1CF0] =	vst v0;
	v1 =	vimm.f32 @!p0 $0.0e+00  }
0x2a: {  	[tilespmem:$0x1D00] =	vst @!p0 v1  }
0x2b: {  	[tilespmem:$0x1D10] =	vst @!p0 v1  }
0x2c: {  	[tilespmem:$0x1D20] =	vst @!p0 v1  }
0x2d: {  	[tilespmem:$0x1D30] =	vst @!p0 v1  }
0x2e: {  	[tilespmem:$0x1D40] =	vst @!p0 v1  }
0x2f: {  	[tilespmem:$0x1D50] =	vst @!p0 v1  }
0x30: {  	[tilespmem:$0x1D60] =	vst @!p0 v1  }
0x31: {  	[tilespmem:$0x1D70] =	vst @!p0 v1  }
0x32: {  	[tilespmem:$0x1D80] =	vst @!p0 v1  }
0x33: {  	[tilespmem:$0x1D90] =	vst @!p0 v1  }
0x34: {  	[tilespmem:$0x1DA0] =	vst @!p0 v1  }
0x35: {  	[tilespmem:$0x1DB0] =	vst @!p0 v1  }
0x36: {  	[tilespmem:$0x1DC0] =	vst @!p0 v1  }
0x37: {  	[tilespmem:$0x1DD0] =	vst @!p0 v1  }
0x38: {  	[tilespmem:$0x1DE0] =	vst @!p0 v1  }
0x39: {  	[tilespmem:$0x1DF0] =	vst @!p0 v1  }
0x3a: {  	[tilespmem:$0x1E00] =	vst @!p0 v1  }
0x3b: {  	[tilespmem:$0x1E10] =	vst @!p0 v1  }
0x3c: {  	[tilespmem:$0x1E20] =	vst @!p0 v1  }
0x3d: {  	[tilespmem:$0x1E30] =	vst @!p0 v1  }
0x3e: {  	[tilespmem:$0x1E40] =	vst @!p0 v1  }
0x3f: {  	[tilespmem:$0x1E50] =	vst @!p0 v1  }
0x40: {  	[tilespmem:$0x1E60] =	vst @!p0 v1  }
0x41: {  	[tilespmem:$0x1E70] =	vst @!p0 v1  }
0x42: {  	[tilespmem:$0x1E80] =	vst @!p0 v1  }
0x43: {  	[tilespmem:$0x1E90] =	vst @!p0 v1  }
0x44: {  	[tilespmem:$0x1EA0] =	vst @!p0 v1  }
0x45: {  	[tilespmem:$0x1EB0] =	vst @!p0 v1  }
0x46: {  	[tilespmem:$0x1EC0] =	vst @!p0 v1  }
0x47: {  	[tilespmem:$0x1ED0] =	vst @!p0 v1  }
0x48: {  	[tilespmem:$0x1EE0] =	vst @!p0 v1  }
0x49: {  	[tilespmem:$0x1EF0] =	vst @!p0 v1  }
0x4a: {  	[tilespmem:$0x1F00] =	vst @!p0 v1  }
0x4b: {  	[tilespmem:$0x1F10] =	vst @!p0 v1  }
0x4c: {  	[tilespmem:$0x1F20] =	vst @!p0 v1  }
0x4d: {  	[tilespmem:$0x1F30] =	vst @!p0 v1  }
0x4e: {  	[tilespmem:$0x1F40] =	vst @!p0 v1  }
0x4f: {  	[tilespmem:$0x1F50] =	vst @!p0 v1  }
0x50: {  	[tilespmem:$0x1F60] =	vst @!p0 v1  }
0x51: {  	s12 =	simm.s32 @!p0 $0x1D00;
	s11 =	simm.s32 @!p0 $0x2;
	[tilespmem:$0x1F70] =	vst @!p0 v1  }
0x52: {  	[spmem:s1] =	stream.linear.scatter @!p0 [tilespmem:s12], [sflag:$0x2], $0x280, $0x38;
	[tilespmem:$0x1FD0] =	vst v63  }
0x53: {  	_ =	swait.ge @!p0 [sflag:s11], $0x280  }
0x54: {  	[sflag:s11] =	ssyncset.done @!p0 $0x0  }
0x55: {  	[sflag:s11] =	ssyncadd.s32 @!p0 $0xFFFFFD80  }
0x56: {  	[spmem:s2] =	stream.linear.scatter @!p0 [tilespmem:s12], [sflag:$0x2], $0x280, $0x38;
	[tilespmem:$0x1FD0] =	vst v63  }
0x57: {  	_ =	swait.ge @!p0 [sflag:s11], $0x280  }
0x58: {  	[sflag:s11] =	ssyncset.done @!p0 $0x0  }
0x59: {  	s18 =	rddreg [dreg:$0x4];
	[sflag:s11] =	ssyncadd.s32 @!p0 $0xFFFFFD80  }
0x5a: {  	[tilespmem:s3], [sflag:$0x2] =	stream.linear.gather [hbm4b:s18+s3], $0xC80, $0x38;
	[tilespmem:$0x1FD0] =	vst v63  }
0x5b: {  	_ =	swait.ge [sflag:s5], $0xC80  }
0x5c: {  	[sflag:s5] =	ssyncset.done $0x0  }
0x5d: {  	s14 =	rddreg [dreg:$0x5];
	[sflag:s5] =	ssyncadd.s32 $0xFFFFF380  }
0x5e: {  	[tilespmem:s6], [sflag:$0x2] =	stream.linear.gather [hbm4b:s14+s3], $0xC80, $0x38;
	[tilespmem:$0x1FD0] =	vst v63  }
0x5f: {  	_ =	swait.ge [sflag:s5], $0xC80  }
0x60: {  	[sflag:s5] =	ssyncset.done $0x0  }
0x61: {  	[sflag:s5] =	ssyncadd.s32 $0xFFFFF380  }
0x62: {  	[bflag:$0x0] =	sbarrier.arrive $0xFFFF  }
0x63: {  	[spmem:s1] =	stream.indirect.scatter.add.f32 [tilespmem:s3], [sflag:$0x1], $0x1, s6, s7, $0xb8;
	[tilespmem:$0x1FD0] =	vst v63  }
0x64: {  	_ = 	snop  }
0x65: {  	[spmem:s2] =	stream.indirect.scatter.add.f32 [tilespmem:s8], [sflag:$0x1], $0x1, s6, s7, $0xb8;
	[tilespmem:$0x1FD0] =	vst v63  }
0x66: {  	s14 =	simm.s32 $0xD00  }
0x67: {  	[spmem:s1] =	stream.indirect.scatter.add.f32 [tilespmem:s7], [sflag:$0x1], $0x1, s14, s7, $0xb8;
	[tilespmem:$0x1FD0] =	vst v63  }
0x68: {  	_ = 	snop  }
0x69: {  	[spmem:s2] =	stream.indirect.scatter.add.f32 [tilespmem:s8], [sflag:$0x1], $0x1, s14, s7, $0xb8;
	[tilespmem:$0x1FD0] =	vst v63  }
0x6a: {  	s16 =	simm.s32 $0xD80;
	s15 =	rddreg [dreg:$0x8]  }
0x6b: {  	[spmem:s1] =	stream.indirect.scatter.add.f32 [tilespmem:s15], [sflag:$0x1], $0x1, s16, s7, $0xb8;
	[tilespmem:$0x1FD0] =	vst v63  }
0x6c: {  	_ = 	snop  }
0x6d: {  	[spmem:s2] =	stream.indirect.scatter.add.f32 [tilespmem:s8], [sflag:$0x1], $0x1, s16, s7, $0xb8;
	[tilespmem:$0x1FD0] =	vst v63  }
0x6e: {  	s18 =	simm.s32 $0xE00;
	s17 =	rddreg [dreg:$0x9]  }
0x6f: {  	[spmem:s1] =	stream.indirect.scatter.add.f32 [tilespmem:s17], [sflag:$0x1], $0x1, s18, s7, $0xb8;
	[tilespmem:$0x1FD0] =	vst v63  }
0x70: {  	_ = 	snop  }
0x71: {  	[spmem:s2] =	stream.indirect.scatter.add.f32 [tilespmem:s8], [sflag:$0x1], $0x1, s18, s7, $0xb8;
	[tilespmem:$0x1FD0] =	vst v63  }
0x72: {  	s15 =	rddreg [dreg:$0xa];
	s16 =	simm.s32 $0xE80  }
0x73: {  	[spmem:s1] =	stream.indirect.scatter.add.f32 [tilespmem:s15], [sflag:$0x1], $0x1, s16, s7, $0xb8;
	[tilespmem:$0x1FD0] =	vst v63  }
0x74: {  	_ = 	snop  }
0x75: {  	[spmem:s2] =	stream.indirect.scatter.add.f32 [tilespmem:s8], [sflag:$0x1], $0x1, s16, s7, $0xb8;
	[tilespmem:$0x1FD0] =	vst v63  }
0x76: {  	_ =	swait.ge [sflag:s13], $0x80  }
0x77: {  	[sflag:s13] =	ssyncset.done $0x0  }
0x78: {  	[sflag:s13] =	ssyncadd.s32 $0xFFFFFF80  }
0x79: {  	_ =	swait.ge [sflag:s13], $0x80  }
0x7a: {  	[sflag:s13] =	ssyncset.done $0x0  }
0x7b: {  	[sflag:s13] =	ssyncadd.s32 $0xFFFFFF80  }
0x7c: {  	_ =	swait.ge [sflag:s13], $0x80  }
0x7d: {  	[sflag:s13] =	ssyncset.done $0x0  }
0x7e: {  	[sflag:s13] =	ssyncadd.s32 $0xFFFFFF80  }
0x7f: {  	_ =	swait.ge [sflag:s13], $0x80  }
0x80: {  	[sflag:s13] =	ssyncset.done $0x0  }
0x81: {  	[sflag:s13] =	ssyncadd.s32 $0xFFFFFF80  }
0x82: {  	_ =	swait.ge [sflag:s13], $0x80  }
0x83: {  	[sflag:s13] =	ssyncset.done $0x0  }
0x84: {  	[sflag:s13] =	ssyncadd.s32 $0xFFFFFF80  }
0x85: {  	_ =	swait.ge [sflag:s13], $0x80  }
0x86: {  	[sflag:s13] =	ssyncset.done $0x0  }
0x87: {  	[sflag:s13] =	ssyncadd.s32 $0xFFFFFF80  }
0x88: {  	_ =	swait.ge [sflag:s13], $0x80  }
0x89: {  	[sflag:s13] =	ssyncset.done $0x0  }
0x8a: {  	[sflag:s13] =	ssyncadd.s32 $0xFFFFFF80  }
0x8b: {  	_ =	swait.ge [sflag:s13], $0x80  }
0x8c: {  	[sflag:s13] =	ssyncset.done $0x0  }
0x8d: {  	[sflag:s13] =	ssyncadd.s32 $0xFFFFFF80  }
0x8e: {  	_ =	swait.ge [sflag:s13], $0x80  }
0x8f: {  	[sflag:s13] =	ssyncset.done $0x0  }
0x90: {  	[sflag:s13] =	ssyncadd.s32 $0xFFFFFF80  }
0x91: {  	_ =	swait.ge [sflag:s13], $0x80  }
0x92: {  	[sflag:s13] =	ssyncset.done $0x0  }
0x93: {  	s18 =	simm.s32 $0xF00;
	s17 =	rddreg [dreg:$0xb];
	[sflag:s13] =	ssyncadd.s32 $0xFFFFFF80  }
0x94: {  	[spmem:s1] =	stream.indirect.scatter.add.f32 [tilespmem:s17], [sflag:$0x1], $0x1, s18, s7, $0xb8;
	[tilespmem:$0x1FD0] =	vst v63  }
0x95: {  	_ = 	snop  }
0x96: {  	[spmem:s2] =	stream.indirect.scatter.add.f32 [tilespmem:s8], [sflag:$0x1], $0x1, s18, s7, $0xb8;
	[tilespmem:$0x1FD0] =	vst v63  }
0x97: {  	s16 =	simm.s32 $0xF80;
	s15 =	rddreg [dreg:$0xc]  }
0x98: {  	[spmem:s1] =	stream.indirect.scatter.add.f32 [tilespmem:s15], [sflag:$0x1], $0x1, s16, s7, $0xb8;
	[tilespmem:$0x1FD0] =	vst v63  }
0x99: {  	_ = 	snop  }
0x9a: {  	[spmem:s2] =	stream.indirect.scatter.add.f32 [tilespmem:s8], [sflag:$0x1], $0x1, s16, s7, $0xb8;
	[tilespmem:$0x1FD0] =	vst v63  }
0x9b: {  	s17 =	rddreg [dreg:$0xd];
	s18 =	simm.s32 $0x1000  }
0x9c: {  	[spmem:s1] =	stream.indirect.scatter.add.f32 [tilespmem:s17], [sflag:$0x1], $0x1, s18, s7, $0xb8;
	[tilespmem:$0x1FD0] =	vst v63  }
0x9d: {  	_ = 	snop  }
0x9e: {  	[spmem:s2] =	stream.indirect.scatter.add.f32 [tilespmem:s8], [sflag:$0x1], $0x1, s18, s7, $0xb8;
	[tilespmem:$0x1FD0] =	vst v63  }
0x9f: {  	s15 =	rddreg [dreg:$0xe];
	s16 =	simm.s32 $0x1080  }
0xa0: {  	[spmem:s1] =	stream.indirect.scatter.add.f32 [tilespmem:s15], [sflag:$0x1], $0x1, s16, s7, $0xb8;
	[tilespmem:$0x1FD0] =	vst v63  }
0xa1: {  	_ = 	snop  }
0xa2: {  	[spmem:s2] =	stream.indirect.scatter.add.f32 [tilespmem:s8], [sflag:$0x1], $0x1, s16, s7, $0xb8;
	[tilespmem:$0x1FD0] =	vst v63  }
0xa3: {  	s17 =	rddreg [dreg:$0xf];
	s18 =	simm.s32 $0x1100  }
0xa4: {  	[spmem:s1] =	stream.indirect.scatter.add.f32 [tilespmem:s17], [sflag:$0x1], $0x1, s18, s7, $0xb8;
	[tilespmem:$0x1FD0] =	vst v63  }
0xa5: {  	_ = 	snop  }
0xa6: {  	[spmem:s2] =	stream.indirect.scatter.add.f32 [tilespmem:s8], [sflag:$0x1], $0x1, s18, s7, $0xb8;
	[tilespmem:$0x1FD0] =	vst v63  }
0xa7: {  	_ =	swait.ge [sflag:s13], $0x80  }
0xa8: {  	[sflag:s13] =	ssyncset.done $0x0  }
0xa9: {  	[sflag:s13] =	ssyncadd.s32 $0xFFFFFF80  }
0xaa: {  	_ =	swait.ge [sflag:s13], $0x80  }
0xab: {  	[sflag:s13] =	ssyncset.done $0x0  }
0xac: {  	[sflag:s13] =	ssyncadd.s32 $0xFFFFFF80  }
0xad: {  	_ =	swait.ge [sflag:s13], $0x80  }
0xae: {  	[sflag:s13] =	ssyncset.done $0x0  }
0xaf: {  	[sflag:s13] =	ssyncadd.s32 $0xFFFFFF80  }
0xb0: {  	_ =	swait.ge [sflag:s13], $0x80  }
0xb1: {  	[sflag:s13] =	ssyncset.done $0x0  }
0xb2: {  	[sflag:s13] =	ssyncadd.s32 $0xFFFFFF80  }
0xb3: {  	_ =	swait.ge [sflag:s13], $0x80  }
0xb4: {  	[sflag:s13] =	ssyncset.done $0x0  }
0xb5: {  	[sflag:s13] =	ssyncadd.s32 $0xFFFFFF80  }
0xb6: {  	_ =	swait.ge [sflag:s13], $0x80  }
0xb7: {  	[sflag:s13] =	ssyncset.done $0x0  }
0xb8: {  	[sflag:s13] =	ssyncadd.s32 $0xFFFFFF80  }
0xb9: {  	_ =	swait.ge [sflag:s13], $0x80  }
0xba: {  	[sflag:s13] =	ssyncset.done $0x0  }
0xbb: {  	[sflag:s13] =	ssyncadd.s32 $0xFFFFFF80  }
0xbc: {  	_ =	swait.ge [sflag:s13], $0x80  }
0xbd: {  	[sflag:s13] =	ssyncset.done $0x0  }
0xbe: {  	[sflag:s13] =	ssyncadd.s32 $0xFFFFFF80  }
0xbf: {  	_ =	swait.ge [sflag:s13], $0x80  }
0xc0: {  	[sflag:s13] =	ssyncset.done $0x0  }
0xc1: {  	[sflag:s13] =	ssyncadd.s32 $0xFFFFFF80  }
0xc2: {  	_ =	swait.ge [sflag:s13], $0x80  }
0xc3: {  	[sflag:s13] =	ssyncset.done $0x0  }
0xc4: {  	s14 =	rddreg [dreg:$0x10];
	[sflag:s13] =	ssyncadd.s32 $0xFFFFFF80  }
0xc5: {  	[spmem:s1] =	stream.indirect.scatter.add.f32 [tilespmem:s14], [sflag:$0x1], $0x1, s19, s7, $0xb8;
	[tilespmem:$0x1FD0] =	vst v63  }
0xc6: {  	_ = 	snop  }
0xc7: {  	[spmem:s2] =	stream.indirect.scatter.add.f32 [tilespmem:s8], [sflag:$0x1], $0x1, s19, s7, $0xb8;
	[tilespmem:$0x1FD0] =	vst v63  }
0xc8: {  	s15 =	rddreg [dreg:$0x11]  }
0xc9: {  	[spmem:s1] =	stream.indirect.scatter.add.f32 [tilespmem:s15], [sflag:$0x1], $0x1, s20, s7, $0xb8;
	[tilespmem:$0x1FD0] =	vst v63  }
0xca: {  	_ = 	snop  }
0xcb: {  	[spmem:s2] =	stream.indirect.scatter.add.f32 [tilespmem:s8], [sflag:$0x1], $0x1, s20, s7, $0xb8;
	[tilespmem:$0x1FD0] =	vst v63  }
0xcc: {  	s16 =	rddreg [dreg:$0x12]  }
0xcd: {  	[spmem:s1] =	stream.indirect.scatter.add.f32 [tilespmem:s16], [sflag:$0x1], $0x1, s21, s7, $0xb8;
	[tilespmem:$0x1FD0] =	vst v63  }
0xce: {  	_ = 	snop  }
0xcf: {  	[spmem:s2] =	stream.indirect.scatter.add.f32 [tilespmem:s8], [sflag:$0x1], $0x1, s21, s7, $0xb8;
	[tilespmem:$0x1FD0] =	vst v63  }
0xd0: {  	s17 =	rddreg [dreg:$0x13]  }
0xd1: {  	[spmem:s1] =	stream.indirect.scatter.add.f32 [tilespmem:s17], [sflag:$0x1], $0x1, s22, s7, $0xb8;
	[tilespmem:$0x1FD0] =	vst v63  }
0xd2: {  	_ = 	snop  }
0xd3: {  	[spmem:s2] =	stream.indirect.scatter.add.f32 [tilespmem:s8], [sflag:$0x1], $0x1, s22, s7, $0xb8;
	[tilespmem:$0x1FD0] =	vst v63  }
0xd4: {  	s18 =	rddreg [dreg:$0x14]  }
0xd5: {  	[spmem:s1] =	stream.indirect.scatter.add.f32 [tilespmem:s18], [sflag:$0x1], $0x1, s23, s7, $0xb8;
	[tilespmem:$0x1FD0] =	vst v63  }
0xd6: {  	_ = 	snop  }
0xd7: {  	[spmem:s2] =	stream.indirect.scatter.add.f32 [tilespmem:s8], [sflag:$0x1], $0x1, s23, s7, $0xb8;
	[tilespmem:$0x1FD0] =	vst v63  }
0xd8: {  	_ =	swait.ge [sflag:s13], $0x80  }
0xd9: {  	[sflag:s13] =	ssyncset.done $0x0  }
0xda: {  	[sflag:s13] =	ssyncadd.s32 $0xFFFFFF80  }
0xdb: {  	_ =	swait.ge [sflag:s13], $0x80  }
0xdc: {  	[sflag:s13] =	ssyncset.done $0x0  }
0xdd: {  	[sflag:s13] =	ssyncadd.s32 $0xFFFFFF80  }
0xde: {  	_ =	swait.ge [sflag:s13], $0x80  }
0xdf: {  	[sflag:s13] =	ssyncset.done $0x0  }
0xe0: {  	[sflag:s13] =	ssyncadd.s32 $0xFFFFFF80  }
0xe1: {  	_ =	swait.ge [sflag:s13], $0x80  }
0xe2: {  	[sflag:s13] =	ssyncset.done $0x0  }
0xe3: {  	[sflag:s13] =	ssyncadd.s32 $0xFFFFFF80  }
0xe4: {  	_ =	swait.ge [sflag:s13], $0x80  }
0xe5: {  	[sflag:s13] =	ssyncset.done $0x0  }
0xe6: {  	[sflag:s13] =	ssyncadd.s32 $0xFFFFFF80  }
0xe7: {  	_ =	swait.ge [sflag:s13], $0x80  }
0xe8: {  	[sflag:s13] =	ssyncset.done $0x0  }
0xe9: {  	[sflag:s13] =	ssyncadd.s32 $0xFFFFFF80  }
0xea: {  	_ =	swait.ge [sflag:s13], $0x80  }
0xeb: {  	[sflag:s13] =	ssyncset.done $0x0  }
0xec: {  	[sflag:s13] =	ssyncadd.s32 $0xFFFFFF80  }
0xed: {  	_ =	swait.ge [sflag:s13], $0x80  }
0xee: {  	[sflag:s13] =	ssyncset.done $0x0  }
0xef: {  	[sflag:s13] =	ssyncadd.s32 $0xFFFFFF80  }
0xf0: {  	_ =	swait.ge [sflag:s13], $0x80  }
0xf1: {  	[sflag:s13] =	ssyncset.done $0x0  }
0xf2: {  	[sflag:s13] =	ssyncadd.s32 $0xFFFFFF80  }
0xf3: {  	_ =	swait.ge [sflag:s13], $0x80  }
0xf4: {  	[sflag:s13] =	ssyncset.done $0x0  }
0xf5: {  	s14 =	rddreg [dreg:$0x15];
	[sflag:s13] =	ssyncadd.s32 $0xFFFFFF80  }
0xf6: {  	[spmem:s1] =	stream.indirect.scatter.add.f32 [tilespmem:s14], [sflag:$0x1], $0x1, s24, s7, $0xb8;
	[tilespmem:$0x1FD0] =	vst v63  }
0xf7: {  	_ = 	snop  }
0xf8: {  	[spmem:s2] =	stream.indirect.scatter.add.f32 [tilespmem:s8], [sflag:$0x1], $0x1, s24, s7, $0xb8;
	[tilespmem:$0x1FD0] =	vst v63  }
0xf9: {  	s15 =	rddreg [dreg:$0x16]  }
0xfa: {  	[spmem:s1] =	stream.indirect.scatter.add.f32 [tilespmem:s15], [sflag:$0x1], $0x1, s25, s7, $0xb8;
	[tilespmem:$0x1FD0] =	vst v63  }
0xfb: {  	_ = 	snop  }
0xfc: {  	[spmem:s2] =	stream.indirect.scatter.add.f32 [tilespmem:s8], [sflag:$0x1], $0x1, s25, s7, $0xb8;
	[tilespmem:$0x1FD0] =	vst v63  }
0xfd: {  	s16 =	rddreg [dreg:$0x17]  }
0xfe: {  	[spmem:s1] =	stream.indirect.scatter.add.f32 [tilespmem:s16], [sflag:$0x1], $0x1, s26, s7, $0xb8;
	[tilespmem:$0x1FD0] =	vst v63  }
0xff: {  	_ = 	snop  }
0x100: {  	[spmem:s2] =	stream.indirect.scatter.add.f32 [tilespmem:s8], [sflag:$0x1], $0x1, s26, s7, $0xb8;
	[tilespmem:$0x1FD0] =	vst v63  }
0x101: {  	s17 =	rddreg [dreg:$0x18]  }
0x102: {  	[spmem:s1] =	stream.indirect.scatter.add.f32 [tilespmem:s17], [sflag:$0x1], $0x1, s28, s7, $0xb8;
	[tilespmem:$0x1FD0] =	vst v63  }
0x103: {  	_ = 	snop  }
0x104: {  	[spmem:s2] =	stream.indirect.scatter.add.f32 [tilespmem:s8], [sflag:$0x1], $0x1, s28, s7, $0xb8;
	[tilespmem:$0x1FD0] =	vst v63  }
0x105: {  	s18 =	rddreg [dreg:$0x19]  }
0x106: {  	[spmem:s1] =	stream.indirect.scatter.add.f32 [tilespmem:s18], [sflag:$0x1], $0x1, s29, s7, $0xb8;
	[tilespmem:$0x1FD0] =	vst v63  }
0x107: {  	_ = 	snop  }
0x108: {  	[spmem:s2] =	stream.indirect.scatter.add.f32 [tilespmem:s8], [sflag:$0x1], $0x1, s29, s7, $0xb8;
	[tilespmem:$0x1FD0] =	vst v63  }
0x109: {  	_ =	swait.ge [sflag:s13], $0x80  }
0x10a: {  	[sflag:s13] =	ssyncset.done $0x0  }
0x10b: {  	[sflag:s13] =	ssyncadd.s32 $0xFFFFFF80  }
0x10c: {  	_ =	swait.ge [sflag:s13], $0x80  }
0x10d: {  	[sflag:s13] =	ssyncset.done $0x0  }
0x10e: {  	[sflag:s13] =	ssyncadd.s32 $0xFFFFFF80  }
0x10f: {  	_ =	swait.ge [sflag:s13], $0x80  }
0x110: {  	[sflag:s13] =	ssyncset.done $0x0  }
0x111: {  	[sflag:s13] =	ssyncadd.s32 $0xFFFFFF80  }
0x112: {  	_ =	swait.ge [sflag:s13], $0x80  }
0x113: {  	[sflag:s13] =	ssyncset.done $0x0  }
0x114: {  	[sflag:s13] =	ssyncadd.s32 $0xFFFFFF80  }
0x115: {  	_ =	swait.ge [sflag:s13], $0x80  }
0x116: {  	[sflag:s13] =	ssyncset.done $0x0  }
0x117: {  	[sflag:s13] =	ssyncadd.s32 $0xFFFFFF80  }
0x118: {  	_ =	swait.ge [sflag:s13], $0x80  }
0x119: {  	[sflag:s13] =	ssyncset.done $0x0  }
0x11a: {  	[sflag:s13] =	ssyncadd.s32 $0xFFFFFF80  }
0x11b: {  	_ =	swait.ge [sflag:s13], $0x80  }
0x11c: {  	[sflag:s13] =	ssyncset.done $0x0  }
0x11d: {  	[sflag:s13] =	ssyncadd.s32 $0xFFFFFF80  }
0x11e: {  	_ =	swait.ge [sflag:s13], $0x80  }
0x11f: {  	[sflag:s13] =	ssyncset.done $0x0  }
0x120: {  	[sflag:s13] =	ssyncadd.s32 $0xFFFFFF80  }
0x121: {  	_ =	swait.ge [sflag:s13], $0x80  }
0x122: {  	[sflag:s13] =	ssyncset.done $0x0  }
0x123: {  	[sflag:s13] =	ssyncadd.s32 $0xFFFFFF80  }
0x124: {  	_ =	swait.ge [sflag:s13], $0x80  }
0x125: {  	[sflag:s13] =	ssyncset.done $0x0  }
0x126: {  	s14 =	rddreg [dreg:$0x1a];
	[sflag:s13] =	ssyncadd.s32 $0xFFFFFF80  }
0x127: {  	[spmem:s1] =	stream.indirect.scatter.add.f32 [tilespmem:s14], [sflag:$0x1], $0x1, s30, s7, $0xb8;
	[tilespmem:$0x1FD0] =	vst v63  }
0x128: {  	_ = 	snop  }
0x129: {  	[spmem:s2] =	stream.indirect.scatter.add.f32 [tilespmem:s8], [sflag:$0x1], $0x1, s30, s7, $0xb8;
	[tilespmem:$0x1FD0] =	vst v63  }
0x12a: {  	s15 =	rddreg [dreg:$0x1b]  }
0x12b: {  	[spmem:s1] =	stream.indirect.scatter.add.f32 [tilespmem:s15], [sflag:$0x1], $0x1, s31, s7, $0xb8;
	[tilespmem:$0x1FD0] =	vst v63  }
0x12c: {  	_ = 	snop  }
0x12d: {  	[spmem:s2] =	stream.indirect.scatter.add.f32 [tilespmem:s8], [sflag:$0x1], $0x1, s31, s7, $0xb8;
	[tilespmem:$0x1FD0] =	vst v63  }
0x12e: {  	s16 =	rddreg [dreg:$0x1c]  }
0x12f: {  	[spmem:s1] =	stream.indirect.scatter.add.f32 [tilespmem:s16], [sflag:$0x1], $0x1, s0, s7, $0xb8;
	[tilespmem:$0x1FD0] =	vst v63  }
0x130: {  	_ = 	snop  }
0x131: {  	[spmem:s2] =	stream.indirect.scatter.add.f32 [tilespmem:s8], [sflag:$0x1], $0x1, s0, s7, $0xb8;
	[tilespmem:$0x1FD0] =	vst v63  }
0x132: {  	s17 =	rddreg [dreg:$0x1d]  }
0x133: {  	[spmem:s1] =	stream.indirect.scatter.add.f32 [tilespmem:s17], [sflag:$0x1], $0x1, s9, s7, $0xb8;
	[tilespmem:$0x1FD0] =	vst v63  }
0x134: {  	_ = 	snop  }
0x135: {  	[spmem:s2] =	stream.indirect.scatter.add.f32 [tilespmem:s8], [sflag:$0x1], $0x1, s9, s7, $0xb8;
	[tilespmem:$0x1FD0] =	vst v63  }
0x136: {  	s18 =	rddreg [dreg:$0x1e]  }
0x137: {  	[spmem:s1] =	stream.indirect.scatter.add.f32 [tilespmem:s18], [sflag:$0x1], $0x1, s10, s7, $0xb8;
	[tilespmem:$0x1FD0] =	vst v63  }
0x138: {  	_ = 	snop  }
0x139: {  	[spmem:s2] =	stream.indirect.scatter.add.f32 [tilespmem:s8], [sflag:$0x1], $0x1, s10, s7, $0xb8;
	[tilespmem:$0x1FD0] =	vst v63  }
0x13a: {  	_ =	swait.ge [sflag:s13], $0x80  }
0x13b: {  	[sflag:s13] =	ssyncset.done $0x0  }
0x13c: {  	[sflag:s13] =	ssyncadd.s32 $0xFFFFFF80  }
0x13d: {  	_ =	swait.ge [sflag:s13], $0x80  }
0x13e: {  	[sflag:s13] =	ssyncset.done $0x0  }
0x13f: {  	[sflag:s13] =	ssyncadd.s32 $0xFFFFFF80  }
0x140: {  	_ =	swait.ge [sflag:s13], $0x80  }
0x141: {  	[sflag:s13] =	ssyncset.done $0x0  }
0x142: {  	[sflag:s13] =	ssyncadd.s32 $0xFFFFFF80  }
0x143: {  	_ =	swait.ge [sflag:s13], $0x80  }
0x144: {  	[sflag:s13] =	ssyncset.done $0x0  }
0x145: {  	[sflag:s13] =	ssyncadd.s32 $0xFFFFFF80  }
0x146: {  	_ =	swait.ge [sflag:s13], $0x80  }
0x147: {  	[sflag:s13] =	ssyncset.done $0x0  }
0x148: {  	[sflag:s13] =	ssyncadd.s32 $0xFFFFFF80  }
0x149: {  	_ =	swait.ge [sflag:s13], $0x80  }
0x14a: {  	[sflag:s13] =	ssyncset.done $0x0  }
0x14b: {  	[sflag:s13] =	ssyncadd.s32 $0xFFFFFF80  }
0x14c: {  	_ =	swait.ge [sflag:s13], $0x80  }
0x14d: {  	[sflag:s13] =	ssyncset.done $0x0  }
0x14e: {  	[sflag:s13] =	ssyncadd.s32 $0xFFFFFF80  }
0x14f: {  	_ =	swait.ge [sflag:s13], $0x80  }
0x150: {  	[sflag:s13] =	ssyncset.done $0x0  }
0x151: {  	[sflag:s13] =	ssyncadd.s32 $0xFFFFFF80  }
0x152: {  	_ =	swait.ge [sflag:s13], $0x80  }
0x153: {  	[sflag:s13] =	ssyncset.done $0x0  }
0x154: {  	[sflag:s13] =	ssyncadd.s32 $0xFFFFFF80  }
0x155: {  	_ =	swait.ge [sflag:s13], $0x80  }
0x156: {  	[sflag:s13] =	ssyncset.done $0x0  }
0x157: {  	s14 =	sshrl.u32 @!p0 s1, $0x3;
	[sflag:s13] =	ssyncadd.s32 $0xFFFFFF80  }
0x158: {  	s15 =	simm.s32 @!p0 $0x1;
	s16 =	simm.s32 @!p0 $0x20;
	[bflag:$0x0] =	sbarrier.arrive $0xFFFF  }
0x159: {  	s17 =	simm.s32 @!p0 $0x10;
	s18 =	simm.s32 @!p0 $0x1C02;
	s12 =	rddreg [dreg:$0x6]  }
0x15a: {  	[hbm:s12@s16], [sflag:s18] =	dma.strided @!p0 [spmem:s14@s17], $0x50, s15, $0x10   }
0x15b: {  	s4 =	sadd.s32 $0xFFFFFFFF, s4;
	_ =	swait.ge @!p0 [sflag:s11], $0x50  }
0x15c: {  	p1 =	sne.s32 s4, $0x0;
	s14 =	sshrl.u32 @!p0 s2, $0x3;
	[sflag:s11] =	ssyncset.done @!p0 $0x0  }
.Ltmp0:
0x15d: {  	s12 =	rddreg [dreg:$0x7];
	[sflag:s11] =	ssyncadd.s32 @!p0 $0xFFFFFFB0;
	(pc) =	sbr.rel @p1 .LBB2_1-.Ltmp0, $4  }
0x15e: {  	[hbm:s12@s16], [sflag:s18] =	dma.strided @!p0 [spmem:s14@s17], $0x50, s15, $0x10   }
0x15f: {  	_ =	swait.ge @!p0 [sflag:s11], $0x50  }
0x160: {  	[sflag:s11] =	ssyncset.done @!p0 $0x0  }
0x161: {  	[sflag:s11] =	ssyncadd.s32 @!p0 $0xFFFFFFB0  }
0x162: {  	_ =	sfence.sel $0x180000  }
0x163: {  	[bflag:$0x0] =	sbarrier.arrive $0xFFFF  }
0x164: {  	_ =	strace $0x90000047  }
0x165: {  	[bflag:$0x2] =	sbarrier.arrive $0xFFFF  }
0x166: {  	s0 =	rddreg [dreg:$0x3]  }
0x167: {  	s0 =	sadd.s32 @!p0 $0x100000, s0  }
0x168: {  	[sflag:s0] =	ssyncadd.tile.s32 @!p0 $0x1;
	_ =	shalt  }
.Lfunc_end2:
_tile_overlayer_lowered:
.L_overlay_start_2:
0x169: {  	(tag) =	ssettag $0x2  }
0x16a: {  	s0 =	rddreg [dreg:$0x0];
	s2 =	stileid.u32  }
0x16b: {  	s1 =	rddreg [dreg:$0x1];
	p0 =	sne.s32 s2, $0x0  }
0x16c: {  	s3 =	rddreg [dreg:$0x2];
	[bflag:$0x3] =	sbarrier.arrive $0xFFFF;
	s2 =	simm.s32 @!p0 $0x1C02  }
0x16d: {  	[timem:s3], [sflag:s2] =	dma.local @!p0 [hbm:s0], s1  }
0x16e: {  	s0 =	simm.s32 @!p0 $0x2  }
0x16f: {  	_ =	swait.ge @!p0 [sflag:s0], s1  }
0x170: {  	s1 =	ssub.s32 @!p0 $0x0, s1;
	[sflag:s0] =	ssyncset.done @!p0 $0x0  }
0x171: {  	[sflag:s0] =	ssyncadd.s32 @!p0 s1  }
0x172: {  	[bflag:$0x3] =	sbarrier.arrive $0xFFFF  }
0x173: {  	_ =	shalt  }

</sc_bundles>
